<compile_context>
chip_gen: v7x
topology: tpu7x:2x2x1
jax: 0.10.2.dev20260603
libtpu: 0.0.44.dev20260713+nightly
codegen_flags: <defaults>
</compile_context>

<pallas_src>
import functools

import jax
import jax.numpy as jnp
from jax import lax
from jax.experimental import pallas as pl
from jax.experimental.pallas import tpu as pltpu
from jax.experimental.pallas import tpu_sc as plsc

_NUM_OBJ = 151
_NUM_RELS = 51
_BATCH = 16384

_INFO = plsc.get_sparse_core_info()
_NC = _INFO.num_cores
_NS = _INFO.num_subcores
_NW = _NC * _NS
_L = _INFO.num_lanes
_COLS = _BATCH // _NW
_GATHER_W = 128
_NG = _COLS // _GATHER_W
_CPG = _GATHER_W // _L


def _body(labels_hbm, kb_hbm, out_hbm, labels_v, pairid_v, keys_v, out_v,
          sem_g0, sem_g1, sem_g2, sem_g3, sem_out):
    sems = [sem_g0, sem_g1, sem_g2, sem_g3]
    wid = lax.axis_index("s") * _NC + lax.axis_index("c")
    iota = lax.iota(jnp.int32, _L)
    cbase = pl.multiple_of(wid * _COLS, _COLS)

    pltpu.sync_copy(labels_hbm.at[:, pl.ds(cbase, _COLS)], labels_v)

    def _pair(c, carry):
        off = pl.multiple_of(c * _L, _L)
        subj = labels_v[0, pl.ds(off, _L)]
        obj = labels_v[1, pl.ds(off, _L)]
        pairid_v[pl.ds(off, _L)] = subj * _NUM_OBJ + obj
        return carry

    gathers = []
    for g in range(_NG):
        lax.fori_loop(g * _CPG, (g + 1) * _CPG, _pair, 0)
        gathers.append(
            pltpu.async_copy(
                kb_hbm.at[pairid_v.at[pl.ds(g * _GATHER_W, _GATHER_W)]],
                keys_v.at[pl.ds(g * _GATHER_W, _GATHER_W)],
                sems[g],
            )
        )

    zeros = jnp.zeros((_L,), jnp.float32)

    def _zero(j, carry):
        for b in range(_COLS // _L):
            out_v[j, pl.ds(b * _L, _L)] = zeros
        return carry

    lax.fori_loop(0, _NUM_RELS, _zero, 0)

    ones = jnp.full((_L,), 1.0, jnp.float32)

    def _scat(c, carry):
        off = pl.multiple_of(c * _L, _L)
        keys = keys_v[pl.ds(off, _L)]
        plsc.store_scatter(out_v, [keys, off + iota], ones)
        return carry

    out_copies = []
    for g in range(_NG):
        gathers[g].wait()
        lax.fori_loop(g * _CPG, (g + 1) * _CPG, _scat, 0)
        out_copies.append(
            pltpu.async_copy(
                out_v.at[:, pl.ds(g * _GATHER_W, _GATHER_W)],
                out_hbm.at[:, pl.ds(cbase + g * _GATHER_W, _GATHER_W)],
                sem_out,
            )
        )
    for cp in out_copies:
        cp.wait()


@jax.jit
def _kb_bias_sc(labels_t, kb_table):
    mesh = plsc.VectorSubcoreMesh(core_axis_name="c", subcore_axis_name="s")
    run = functools.partial(
        pl.kernel,
        out_type=jax.ShapeDtypeStruct((_NUM_RELS, _BATCH), jnp.float32),
        mesh=mesh,
        compiler_params=pltpu.CompilerParams(
            needs_layout_passes=False,
            skip_device_barrier=True,
            disable_bounds_checks=True,
            disable_semaphore_checks=True,
        ),
        scratch_types=[
            pltpu.VMEM((2, _COLS), jnp.int32),
            pltpu.VMEM((_COLS,), jnp.int32),
            pltpu.VMEM((_COLS,), jnp.int32),
            pltpu.VMEM((_NUM_RELS, _COLS), jnp.float32),
            pltpu.SemaphoreType.DMA,
            pltpu.SemaphoreType.DMA,
            pltpu.SemaphoreType.DMA,
            pltpu.SemaphoreType.DMA,
            pltpu.SemaphoreType.DMA,
        ],
    )(_body)
    return run(labels_t, kb_table)


def kernel(labels, kb_table):
    return _kb_bias_sc(labels.T, kb_table).T

# --- scband reference (transcript-rebuilt; emitter-appended) ---
"""Pipeline reference for scband-kbbias-77704548319715 (READ-ONLY COPY).

The authoritative reference and input builder live on the scoring server;
editing this copy changes nothing except your own understanding.
"""

import jax, jax.numpy as jnp
import numpy as np

NUM_OBJ_CLASSES = 151  # Visual Genome object classes (incl. background)
NUM_RELS = 51          # cfg.MODEL.ROI_RELATION_HEAD.NUM_CLASSES
BATCH = 16384


def setup_inputs(seed: int = 0) -> dict:
    key = jax.random.key(seed)
    k1, k2 = jax.random.split(key)
    # forward arg: subject/object label pairs
    labels = jax.random.randint(k1, (BATCH, 2), 0, NUM_OBJ_CLASSES, dtype=jnp.int32)
    # Learned/loaded state: the VGKB json dict 'h_t' -> rel ids, materialized as a
    # dense pair->relation lookup table (the np.random.choice over candidate rels
    # is frozen into one deterministic pick per pair, which is what a single
    # forward sample observes).
    kb_table = jax.random.randint(k2, (NUM_OBJ_CLASSES * NUM_OBJ_CLASSES,), 0, NUM_RELS, dtype=jnp.int32)
    return {"labels": labels, "kb_table": kb_table}


def reference(labels, kb_table):
    # keys = kb.get(str(h)+'_'+str(t), [0]) -> choice  ==> gather from pair table
    pair_id = labels[:, 0] * NUM_OBJ_CLASSES + labels[:, 1]
    keys = jnp.take(kb_table, pair_id, axis=0)  # [B] int32 rel index
    # ret = zeros(B, num_rels); ret[arange(B), keys] = 1.0  ==> scatter-overwrite
    b = labels.shape[0]
    ret = jnp.zeros((b, NUM_RELS), dtype=jnp.float32)
    ret = ret.at[jnp.arange(b), keys].set(1.0)
    return ret

if __name__ == "__main__":
    import jax
    _d = setup_inputs()
    print(jax.jit(kernel)(*tuple(_d.values())))

</pallas_src>

<mosaic_0001>
#map = affine_map<(d0, d1) -> (0, 0)>
#map1 = affine_map<(d0, d1) -> (0)>
module attributes {stable_mosaic.version = 14 : i64} {
  func.func @_body(%arg0: i32, %arg1: i32, %arg2: memref<2x16384xi32, #tpu.memory_space<hbm>>, %arg3: memref<22801xi32, #tpu.memory_space<hbm>>, %arg4: memref<51x16384xf32, #tpu.memory_space<hbm>>, %arg5: memref<2x512xi32, #tpu.memory_space<vmem>>, %arg6: memref<512xi32, #tpu.memory_space<vmem>>, %arg7: memref<512xi32, #tpu.memory_space<vmem>>, %arg8: memref<51x512xf32, #tpu.memory_space<vmem>>, %arg9: memref<!tpu.dma_semaphore, #tpu.memory_space<semaphore_mem>>, %arg10: memref<!tpu.dma_semaphore, #tpu.memory_space<semaphore_mem>>, %arg11: memref<!tpu.dma_semaphore, #tpu.memory_space<semaphore_mem>>, %arg12: memref<!tpu.dma_semaphore, #tpu.memory_space<semaphore_mem>>, %arg13: memref<!tpu.dma_semaphore, #tpu.memory_space<semaphore_mem>>) attributes {dimension_semantics = [#tpu.dimension_semantics<core_parallel>, #tpu.dimension_semantics<subcore_parallel>], iteration_bounds = array<i64: 2, 16>, scalar_prefetch = 0 : i64, scratch_operands = 9 : i64, tpu.core_type = #tpu.core_type<sc_vector_subcore>, window_params = [{transform_indices = #map}, {transform_indices = #map1}, {transform_indices = #map}]} {
    %mul3A = arith.constant 2 : i32
    %mul3A_0 = arith.muli %arg1, %mul3A : i32
    %add3A = arith.addi %mul3A_0, %arg0 : i32
    %iota3A = tpu.iota {dimensions = array<i32: 0>} : vector<16xi32>
    %mul3A_1 = arith.constant 512 : i32
    %mul3A_2 = arith.muli %add3A, %mul3A_1 : i32
    %multiple_of3A = tpu.assume_multiple %mul3A_2, 512 : i32
    "tpu.region"() ({
      %run_scoped3A = tpu.sem_alloc : memref<!tpu.dma_semaphore, #tpu.memory_space<semaphore_mem>>
      %dma_start3A_193 = arith.constant 0 : i32
      %dma_start3A_194 = tpu.memref_slice %arg2[%dma_start3A_193, %multiple_of3A] : memref<2x16384xi32, #tpu.memory_space<hbm>> -> memref<2x512xi32, #tpu.memory_space<hbm>>
      %dma_start3A_195 = arith.constant 0 : i32
      %dma_start3A_196 = tpu.memref_slice %arg2[%dma_start3A_195, %multiple_of3A] : memref<2x16384xi32, #tpu.memory_space<hbm>> -> memref<2x512xi32, #tpu.memory_space<hbm>>
      tpu.enqueue_dma source(%dma_start3A_196 : memref<2x512xi32, #tpu.memory_space<hbm>>) target(%arg5 : memref<2x512xi32, #tpu.memory_space<vmem>>) target_semaphore(%run_scoped3A : memref<!tpu.dma_semaphore, #tpu.memory_space<semaphore_mem>>)
      %dma_wait3A_197 = arith.constant 0 : i32
      %dma_wait3A_198 = tpu.memref_slice %arg2[%dma_wait3A_197, %multiple_of3A] : memref<2x16384xi32, #tpu.memory_space<hbm>> -> memref<2x512xi32, #tpu.memory_space<hbm>>
      %dma_wait3A_199 = arith.constant 0 : i32
      %dma_wait3A_200 = tpu.memref_slice %arg2[%dma_wait3A_199, %multiple_of3A] : memref<2x16384xi32, #tpu.memory_space<hbm>> -> memref<2x512xi32, #tpu.memory_space<hbm>>
      tpu.wait_dma2 semaphore(%run_scoped3A : memref<!tpu.dma_semaphore, #tpu.memory_space<semaphore_mem>>) src(%dma_wait3A_200 : memref<2x512xi32, #tpu.memory_space<hbm>>) dst(%arg5 : memref<2x512xi32, #tpu.memory_space<vmem>>)
      tpu.yield
    }) : () -> ()
    %scan3A = arith.constant 0 : i32
    %scan3A_3 = arith.constant 0 : i32
    %scan3A_4 = arith.constant 8 : i32
    %scan3A_5 = arith.addi %scan3A_3, %scan3A_4 : i32
    %scan3A_6 = arith.constant 1 : i32
    scf.for %scan3A_193 = %scan3A_3 to %scan3A_5 step %scan3A_6  : i32 {
      %mul3A_194 = arith.constant 16 : i32
      %mul3A_195 = arith.muli %scan3A_193, %mul3A_194 : i32
      %multiple_of3A_196 = tpu.assume_multiple %mul3A_195, 16 : i32
      %get3A = arith.constant 0 : i32
      %get3A_197 = arith.index_cast %get3A : i32 to index
      %get3A_198 = arith.index_cast %multiple_of3A_196 : i32 to index
      %get3A_199 = tpu.vector_load %arg5[%get3A_197, %get3A_198] {strides = array<i32>} : memref<2x512xi32, #tpu.memory_space<vmem>>, vector<16xi32>,
      %get3A_200 = arith.constant 1 : i32
      %get3A_201 = arith.index_cast %get3A_200 : i32 to index
      %get3A_202 = arith.index_cast %multiple_of3A_196 : i32 to index
      %get3A_203 = tpu.vector_load %arg5[%get3A_201, %get3A_202] {strides = array<i32>} : memref<2x512xi32, #tpu.memory_space<vmem>>, vector<16xi32>,
      %mul3A_204 = arith.constant 151 : i32
      %mul3A_205 = vector.broadcast %mul3A_204 : i32 to vector<16xi32>
      %mul3A_206 = arith.muli %get3A_199, %mul3A_205 : vector<16xi32>
      %add3A_207 = arith.addi %mul3A_206, %get3A_203 : vector<16xi32>
      %swap3A = arith.index_cast %multiple_of3A_196 : i32 to index
      %swap3A_208 = tpu.vector_load %arg6[%swap3A] {strides = array<i32>} : memref<512xi32, #tpu.memory_space<vmem>>, vector<16xi32>,
      tpu.vector_store %arg6[%swap3A], %add3A_207 {strides = array<i32>} : memref<512xi32, #tpu.memory_space<vmem>>, vector<16xi32>,
    }
    %scan3A_7 = arith.constant 8 : i32
    %dma_start3A = arith.constant 0 : i32
    %dma_start3A_8 = tpu.memref_slice %arg7[%dma_start3A] : memref<512xi32, #tpu.memory_space<vmem>> -> memref<128xi32, #tpu.memory_space<vmem>>
    %dma_start3A_9 = arith.constant 0 : i32
    %dma_start3A_10 = tpu.memref_slice %arg6[%dma_start3A_9] : memref<512xi32, #tpu.memory_space<vmem>> -> memref<128xi32, #tpu.memory_space<vmem>>
    %dma_start3A_11 = arith.constant 0 : i32
    %dma_start3A_12 = tpu.memref_slice %arg3[%dma_start3A_11] : memref<22801xi32, #tpu.memory_space<hbm>> -> memref<22801xi32, #tpu.memory_space<hbm>>
    tpu.enqueue_indirect_dma source(%dma_start3A_12 : memref<22801xi32, #tpu.memory_space<hbm>>) target(%dma_start3A_8 : memref<128xi32, #tpu.memory_space<vmem>>) offsets(%dma_start3A_10 : memref<128xi32, #tpu.memory_space<vmem>>) semaphore(%arg9 : memref<!tpu.dma_semaphore, #tpu.memory_space<semaphore_mem>>)
    %scan3A_13 = arith.constant 0 : i32
    %scan3A_14 = arith.constant 8 : i32
    %scan3A_15 = arith.constant 8 : i32
    %scan3A_16 = arith.addi %scan3A_14, %scan3A_15 : i32
    %scan3A_17 = arith.constant 1 : i32
    scf.for %scan3A_193 = %scan3A_14 to %scan3A_16 step %scan3A_17  : i32 {
      %mul3A_194 = arith.constant 16 : i32
      %mul3A_195 = arith.muli %scan3A_193, %mul3A_194 : i32
      %multiple_of3A_196 = tpu.assume_multiple %mul3A_195, 16 : i32
      %get3A = arith.constant 0 : i32
      %get3A_197 = arith.index_cast %get3A : i32 to index
      %get3A_198 = arith.index_cast %multiple_of3A_196 : i32 to index
      %get3A_199 = tpu.vector_load %arg5[%get3A_197, %get3A_198] {strides = array<i32>} : memref<2x512xi32, #tpu.memory_space<vmem>>, vector<16xi32>,
      %get3A_200 = arith.constant 1 : i32
      %get3A_201 = arith.index_cast %get3A_200 : i32 to index
      %get3A_202 = arith.index_cast %multiple_of3A_196 : i32 to index
      %get3A_203 = tpu.vector_load %arg5[%get3A_201, %get3A_202] {strides = array<i32>} : memref<2x512xi32, #tpu.memory_space<vmem>>, vector<16xi32>,
      %mul3A_204 = arith.constant 151 : i32
      %mul3A_205 = vector.broadcast %mul3A_204 : i32 to vector<16xi32>
      %mul3A_206 = arith.muli %get3A_199, %mul3A_205 : vector<16xi32>
      %add3A_207 = arith.addi %mul3A_206, %get3A_203 : vector<16xi32>
      %swap3A = arith.index_cast %multiple_of3A_196 : i32 to index
      %swap3A_208 = tpu.vector_load %arg6[%swap3A] {strides = array<i32>} : memref<512xi32, #tpu.memory_space<vmem>>, vector<16xi32>,
      tpu.vector_store %arg6[%swap3A], %add3A_207 {strides = array<i32>} : memref<512xi32, #tpu.memory_space<vmem>>, vector<16xi32>,
    }
    %scan3A_18 = arith.constant 8 : i32
    %dma_start3A_19 = arith.constant 128 : i32
    %dma_start3A_20 = tpu.memref_slice %arg7[%dma_start3A_19] : memref<512xi32, #tpu.memory_space<vmem>> -> memref<128xi32, #tpu.memory_space<vmem>>
    %dma_start3A_21 = arith.constant 128 : i32
    %dma_start3A_22 = tpu.memref_slice %arg6[%dma_start3A_21] : memref<512xi32, #tpu.memory_space<vmem>> -> memref<128xi32, #tpu.memory_space<vmem>>
    %dma_start3A_23 = arith.constant 0 : i32
    %dma_start3A_24 = tpu.memref_slice %arg3[%dma_start3A_23] : memref<22801xi32, #tpu.memory_space<hbm>> -> memref<22801xi32, #tpu.memory_space<hbm>>
    tpu.enqueue_indirect_dma source(%dma_start3A_24 : memref<22801xi32, #tpu.memory_space<hbm>>) target(%dma_start3A_20 : memref<128xi32, #tpu.memory_space<vmem>>) offsets(%dma_start3A_22 : memref<128xi32, #tpu.memory_space<vmem>>) semaphore(%arg10 : memref<!tpu.dma_semaphore, #tpu.memory_space<semaphore_mem>>)
    %scan3A_25 = arith.constant 0 : i32
    %scan3A_26 = arith.constant 16 : i32
    %scan3A_27 = arith.constant 8 : i32
    %scan3A_28 = arith.addi %scan3A_26, %scan3A_27 : i32
    %scan3A_29 = arith.constant 1 : i32
    scf.for %scan3A_193 = %scan3A_26 to %scan3A_28 step %scan3A_29  : i32 {
      %mul3A_194 = arith.constant 16 : i32
      %mul3A_195 = arith.muli %scan3A_193, %mul3A_194 : i32
      %multiple_of3A_196 = tpu.assume_multiple %mul3A_195, 16 : i32
      %get3A = arith.constant 0 : i32
      %get3A_197 = arith.index_cast %get3A : i32 to index
      %get3A_198 = arith.index_cast %multiple_of3A_196 : i32 to index
      %get3A_199 = tpu.vector_load %arg5[%get3A_197, %get3A_198] {strides = array<i32>} : memref<2x512xi32, #tpu.memory_space<vmem>>, vector<16xi32>,
      %get3A_200 = arith.constant 1 : i32
      %get3A_201 = arith.index_cast %get3A_200 : i32 to index
      %get3A_202 = arith.index_cast %multiple_of3A_196 : i32 to index
      %get3A_203 = tpu.vector_load %arg5[%get3A_201, %get3A_202] {strides = array<i32>} : memref<2x512xi32, #tpu.memory_space<vmem>>, vector<16xi32>,
      %mul3A_204 = arith.constant 151 : i32
      %mul3A_205 = vector.broadcast %mul3A_204 : i32 to vector<16xi32>
      %mul3A_206 = arith.muli %get3A_199, %mul3A_205 : vector<16xi32>
      %add3A_207 = arith.addi %mul3A_206, %get3A_203 : vector<16xi32>
      %swap3A = arith.index_cast %multiple_of3A_196 : i32 to index
      %swap3A_208 = tpu.vector_load %arg6[%swap3A] {strides = array<i32>} : memref<512xi32, #tpu.memory_space<vmem>>, vector<16xi32>,
      tpu.vector_store %arg6[%swap3A], %add3A_207 {strides = array<i32>} : memref<512xi32, #tpu.memory_space<vmem>>, vector<16xi32>,
    }
    %scan3A_30 = arith.constant 8 : i32
    %dma_start3A_31 = arith.constant 256 : i32
    %dma_start3A_32 = tpu.memref_slice %arg7[%dma_start3A_31] : memref<512xi32, #tpu.memory_space<vmem>> -> memref<128xi32, #tpu.memory_space<vmem>>
    %dma_start3A_33 = arith.constant 256 : i32
    %dma_start3A_34 = tpu.memref_slice %arg6[%dma_start3A_33] : memref<512xi32, #tpu.memory_space<vmem>> -> memref<128xi32, #tpu.memory_space<vmem>>
    %dma_start3A_35 = arith.constant 0 : i32
    %dma_start3A_36 = tpu.memref_slice %arg3[%dma_start3A_35] : memref<22801xi32, #tpu.memory_space<hbm>> -> memref<22801xi32, #tpu.memory_space<hbm>>
    tpu.enqueue_indirect_dma source(%dma_start3A_36 : memref<22801xi32, #tpu.memory_space<hbm>>) target(%dma_start3A_32 : memref<128xi32, #tpu.memory_space<vmem>>) offsets(%dma_start3A_34 : memref<128xi32, #tpu.memory_space<vmem>>) semaphore(%arg11 : memref<!tpu.dma_semaphore, #tpu.memory_space<semaphore_mem>>)
    %scan3A_37 = arith.constant 0 : i32
    %scan3A_38 = arith.constant 24 : i32
    %scan3A_39 = arith.constant 8 : i32
    %scan3A_40 = arith.addi %scan3A_38, %scan3A_39 : i32
    %scan3A_41 = arith.constant 1 : i32
    scf.for %scan3A_193 = %scan3A_38 to %scan3A_40 step %scan3A_41  : i32 {
      %mul3A_194 = arith.constant 16 : i32
      %mul3A_195 = arith.muli %scan3A_193, %mul3A_194 : i32
      %multiple_of3A_196 = tpu.assume_multiple %mul3A_195, 16 : i32
      %get3A = arith.constant 0 : i32
      %get3A_197 = arith.index_cast %get3A : i32 to index
      %get3A_198 = arith.index_cast %multiple_of3A_196 : i32 to index
      %get3A_199 = tpu.vector_load %arg5[%get3A_197, %get3A_198] {strides = array<i32>} : memref<2x512xi32, #tpu.memory_space<vmem>>, vector<16xi32>,
      %get3A_200 = arith.constant 1 : i32
      %get3A_201 = arith.index_cast %get3A_200 : i32 to index
      %get3A_202 = arith.index_cast %multiple_of3A_196 : i32 to index
      %get3A_203 = tpu.vector_load %arg5[%get3A_201, %get3A_202] {strides = array<i32>} : memref<2x512xi32, #tpu.memory_space<vmem>>, vector<16xi32>,
      %mul3A_204 = arith.constant 151 : i32
      %mul3A_205 = vector.broadcast %mul3A_204 : i32 to vector<16xi32>
      %mul3A_206 = arith.muli %get3A_199, %mul3A_205 : vector<16xi32>
      %add3A_207 = arith.addi %mul3A_206, %get3A_203 : vector<16xi32>
      %swap3A = arith.index_cast %multiple_of3A_196 : i32 to index
      %swap3A_208 = tpu.vector_load %arg6[%swap3A] {strides = array<i32>} : memref<512xi32, #tpu.memory_space<vmem>>, vector<16xi32>,
      tpu.vector_store %arg6[%swap3A], %add3A_207 {strides = array<i32>} : memref<512xi32, #tpu.memory_space<vmem>>, vector<16xi32>,
    }
    %scan3A_42 = arith.constant 8 : i32
    %dma_start3A_43 = arith.constant 384 : i32
    %dma_start3A_44 = tpu.memref_slice %arg7[%dma_start3A_43] : memref<512xi32, #tpu.memory_space<vmem>> -> memref<128xi32, #tpu.memory_space<vmem>>
    %dma_start3A_45 = arith.constant 384 : i32
    %dma_start3A_46 = tpu.memref_slice %arg6[%dma_start3A_45] : memref<512xi32, #tpu.memory_space<vmem>> -> memref<128xi32, #tpu.memory_space<vmem>>
    %dma_start3A_47 = arith.constant 0 : i32
    %dma_start3A_48 = tpu.memref_slice %arg3[%dma_start3A_47] : memref<22801xi32, #tpu.memory_space<hbm>> -> memref<22801xi32, #tpu.memory_space<hbm>>
    tpu.enqueue_indirect_dma source(%dma_start3A_48 : memref<22801xi32, #tpu.memory_space<hbm>>) target(%dma_start3A_44 : memref<128xi32, #tpu.memory_space<vmem>>) offsets(%dma_start3A_46 : memref<128xi32, #tpu.memory_space<vmem>>) semaphore(%arg12 : memref<!tpu.dma_semaphore, #tpu.memory_space<semaphore_mem>>)
    %broadcast_in_dim3A = arith.constant 0.000000e+00 : f32
    %broadcast_in_dim3A_49 = vector.broadcast %broadcast_in_dim3A : f32 to vector<16xf32>
    %scan3A_50 = arith.constant 0 : i32
    %scan3A_51 = arith.constant 0 : i32
    %scan3A_52 = arith.constant 51 : i32
    %scan3A_53 = arith.addi %scan3A_51, %scan3A_52 : i32
    %scan3A_54 = arith.constant 1 : i32
    scf.for %scan3A_193 = %scan3A_51 to %scan3A_53 step %scan3A_54  : i32 {
      %swap3A = arith.index_cast %scan3A_193 : i32 to index
      %swap3A_194 = arith.constant 0 : index
      %swap3A_195 = tpu.vector_load %arg8[%swap3A, %swap3A_194] {strides = array<i32>} : memref<51x512xf32, #tpu.memory_space<vmem>>, vector<16xf32>,
      tpu.vector_store %arg8[%swap3A, %swap3A_194], %broadcast_in_dim3A_49 {strides = array<i32>} : memref<51x512xf32, #tpu.memory_space<vmem>>, vector<16xf32>,
      %swap3A_196 = arith.index_cast %scan3A_193 : i32 to index
      %swap3A_197 = arith.constant 16 : index
      %swap3A_198 = tpu.vector_load %arg8[%swap3A_196, %swap3A_197] {strides = array<i32>} : memref<51x512xf32, #tpu.memory_space<vmem>>, vector<16xf32>,
      tpu.vector_store %arg8[%swap3A_196, %swap3A_197], %broadcast_in_dim3A_49 {strides = array<i32>} : memref<51x512xf32, #tpu.memory_space<vmem>>, vector<16xf32>,
      %swap3A_199 = arith.index_cast %scan3A_193 : i32 to index
      %swap3A_200 = arith.constant 32 : index
      %swap3A_201 = tpu.vector_load %arg8[%swap3A_199, %swap3A_200] {strides = array<i32>} : memref<51x512xf32, #tpu.memory_space<vmem>>, vector<16xf32>,
      tpu.vector_store %arg8[%swap3A_199, %swap3A_200], %broadcast_in_dim3A_49 {strides = array<i32>} : memref<51x512xf32, #tpu.memory_space<vmem>>, vector<16xf32>,
      %swap3A_202 = arith.index_cast %scan3A_193 : i32 to index
      %swap3A_203 = arith.constant 48 : index
      %swap3A_204 = tpu.vector_load %arg8[%swap3A_202, %swap3A_203] {strides = array<i32>} : memref<51x512xf32, #tpu.memory_space<vmem>>, vector<16xf32>,
      tpu.vector_store %arg8[%swap3A_202, %swap3A_203], %broadcast_in_dim3A_49 {strides = array<i32>} : memref<51x512xf32, #tpu.memory_space<vmem>>, vector<16xf32>,
      %swap3A_205 = arith.index_cast %scan3A_193 : i32 to index
      %swap3A_206 = arith.constant 64 : index
      %swap3A_207 = tpu.vector_load %arg8[%swap3A_205, %swap3A_206] {strides = array<i32>} : memref<51x512xf32, #tpu.memory_space<vmem>>, vector<16xf32>,
      tpu.vector_store %arg8[%swap3A_205, %swap3A_206], %broadcast_in_dim3A_49 {strides = array<i32>} : memref<51x512xf32, #tpu.memory_space<vmem>>, vector<16xf32>,
      %swap3A_208 = arith.index_cast %scan3A_193 : i32 to index
      %swap3A_209 = arith.constant 80 : index
      %swap3A_210 = tpu.vector_load %arg8[%swap3A_208, %swap3A_209] {strides = array<i32>} : memref<51x512xf32, #tpu.memory_space<vmem>>, vector<16xf32>,
      tpu.vector_store %arg8[%swap3A_208, %swap3A_209], %broadcast_in_dim3A_49 {strides = array<i32>} : memref<51x512xf32, #tpu.memory_space<vmem>>, vector<16xf32>,
      %swap3A_211 = arith.index_cast %scan3A_193 : i32 to index
      %swap3A_212 = arith.constant 96 : index
      %swap3A_213 = tpu.vector_load %arg8[%swap3A_211, %swap3A_212] {strides = array<i32>} : memref<51x512xf32, #tpu.memory_space<vmem>>, vector<16xf32>,
      tpu.vector_store %arg8[%swap3A_211, %swap3A_212], %broadcast_in_dim3A_49 {strides = array<i32>} : memref<51x512xf32, #tpu.memory_space<vmem>>, vector<16xf32>,
      %swap3A_214 = arith.index_cast %scan3A_193 : i32 to index
      %swap3A_215 = arith.constant 112 : index
      %swap3A_216 = tpu.vector_load %arg8[%swap3A_214, %swap3A_215] {strides = array<i32>} : memref<51x512xf32, #tpu.memory_space<vmem>>, vector<16xf32>,
      tpu.vector_store %arg8[%swap3A_214, %swap3A_215], %broadcast_in_dim3A_49 {strides = array<i32>} : memref<51x512xf32, #tpu.memory_space<vmem>>, vector<16xf32>,
      %swap3A_217 = arith.index_cast %scan3A_193 : i32 to index
      %swap3A_218 = arith.constant 128 : index
      %swap3A_219 = tpu.vector_load %arg8[%swap3A_217, %swap3A_218] {strides = array<i32>} : memref<51x512xf32, #tpu.memory_space<vmem>>, vector<16xf32>,
      tpu.vector_store %arg8[%swap3A_217, %swap3A_218], %broadcast_in_dim3A_49 {strides = array<i32>} : memref<51x512xf32, #tpu.memory_space<vmem>>, vector<16xf32>,
      %swap3A_220 = arith.index_cast %scan3A_193 : i32 to index
      %swap3A_221 = arith.constant 144 : index
      %swap3A_222 = tpu.vector_load %arg8[%swap3A_220, %swap3A_221] {strides = array<i32>} : memref<51x512xf32, #tpu.memory_space<vmem>>, vector<16xf32>,
      tpu.vector_store %arg8[%swap3A_220, %swap3A_221], %broadcast_in_dim3A_49 {strides = array<i32>} : memref<51x512xf32, #tpu.memory_space<vmem>>, vector<16xf32>,
      %swap3A_223 = arith.index_cast %scan3A_193 : i32 to index
      %swap3A_224 = arith.constant 160 : index
      %swap3A_225 = tpu.vector_load %arg8[%swap3A_223, %swap3A_224] {strides = array<i32>} : memref<51x512xf32, #tpu.memory_space<vmem>>, vector<16xf32>,
      tpu.vector_store %arg8[%swap3A_223, %swap3A_224], %broadcast_in_dim3A_49 {strides = array<i32>} : memref<51x512xf32, #tpu.memory_space<vmem>>, vector<16xf32>,
      %swap3A_226 = arith.index_cast %scan3A_193 : i32 to index
      %swap3A_227 = arith.constant 176 : index
      %swap3A_228 = tpu.vector_load %arg8[%swap3A_226, %swap3A_227] {strides = array<i32>} : memref<51x512xf32, #tpu.memory_space<vmem>>, vector<16xf32>,
      tpu.vector_store %arg8[%swap3A_226, %swap3A_227], %broadcast_in_dim3A_49 {strides = array<i32>} : memref<51x512xf32, #tpu.memory_space<vmem>>, vector<16xf32>,
      %swap3A_229 = arith.index_cast %scan3A_193 : i32 to index
      %swap3A_230 = arith.constant 192 : index
      %swap3A_231 = tpu.vector_load %arg8[%swap3A_229, %swap3A_230] {strides = array<i32>} : memref<51x512xf32, #tpu.memory_space<vmem>>, vector<16xf32>,
      tpu.vector_store %arg8[%swap3A_229, %swap3A_230], %broadcast_in_dim3A_49 {strides = array<i32>} : memref<51x512xf32, #tpu.memory_space<vmem>>, vector<16xf32>,
      %swap3A_232 = arith.index_cast %scan3A_193 : i32 to index
      %swap3A_233 = arith.constant 208 : index
      %swap3A_234 = tpu.vector_load %arg8[%swap3A_232, %swap3A_233] {strides = array<i32>} : memref<51x512xf32, #tpu.memory_space<vmem>>, vector<16xf32>,
      tpu.vector_store %arg8[%swap3A_232, %swap3A_233], %broadcast_in_dim3A_49 {strides = array<i32>} : memref<51x512xf32, #tpu.memory_space<vmem>>, vector<16xf32>,
      %swap3A_235 = arith.index_cast %scan3A_193 : i32 to index
      %swap3A_236 = arith.constant 224 : index
      %swap3A_237 = tpu.vector_load %arg8[%swap3A_235, %swap3A_236] {strides = array<i32>} : memref<51x512xf32, #tpu.memory_space<vmem>>, vector<16xf32>,
      tpu.vector_store %arg8[%swap3A_235, %swap3A_236], %broadcast_in_dim3A_49 {strides = array<i32>} : memref<51x512xf32, #tpu.memory_space<vmem>>, vector<16xf32>,
      %swap3A_238 = arith.index_cast %scan3A_193 : i32 to index
      %swap3A_239 = arith.constant 240 : index
      %swap3A_240 = tpu.vector_load %arg8[%swap3A_238, %swap3A_239] {strides = array<i32>} : memref<51x512xf32, #tpu.memory_space<vmem>>, vector<16xf32>,
      tpu.vector_store %arg8[%swap3A_238, %swap3A_239], %broadcast_in_dim3A_49 {strides = array<i32>} : memref<51x512xf32, #tpu.memory_space<vmem>>, vector<16xf32>,
      %swap3A_241 = arith.index_cast %scan3A_193 : i32 to index
      %swap3A_242 = arith.constant 256 : index
      %swap3A_243 = tpu.vector_load %arg8[%swap3A_241, %swap3A_242] {strides = array<i32>} : memref<51x512xf32, #tpu.memory_space<vmem>>, vector<16xf32>,
      tpu.vector_store %arg8[%swap3A_241, %swap3A_242], %broadcast_in_dim3A_49 {strides = array<i32>} : memref<51x512xf32, #tpu.memory_space<vmem>>, vector<16xf32>,
      %swap3A_244 = arith.index_cast %scan3A_193 : i32 to index
      %swap3A_245 = arith.constant 272 : index
      %swap3A_246 = tpu.vector_load %arg8[%swap3A_244, %swap3A_245] {strides = array<i32>} : memref<51x512xf32, #tpu.memory_space<vmem>>, vector<16xf32>,
      tpu.vector_store %arg8[%swap3A_244, %swap3A_245], %broadcast_in_dim3A_49 {strides = array<i32>} : memref<51x512xf32, #tpu.memory_space<vmem>>, vector<16xf32>,
      %swap3A_247 = arith.index_cast %scan3A_193 : i32 to index
      %swap3A_248 = arith.constant 288 : index
      %swap3A_249 = tpu.vector_load %arg8[%swap3A_247, %swap3A_248] {strides = array<i32>} : memref<51x512xf32, #tpu.memory_space<vmem>>, vector<16xf32>,
      tpu.vector_store %arg8[%swap3A_247, %swap3A_248], %broadcast_in_dim3A_49 {strides = array<i32>} : memref<51x512xf32, #tpu.memory_space<vmem>>, vector<16xf32>,
      %swap3A_250 = arith.index_cast %scan3A_193 : i32 to index
      %swap3A_251 = arith.constant 304 : index
      %swap3A_252 = tpu.vector_load %arg8[%swap3A_250, %swap3A_251] {strides = array<i32>} : memref<51x512xf32, #tpu.memory_space<vmem>>, vector<16xf32>,
      tpu.vector_store %arg8[%swap3A_250, %swap3A_251], %broadcast_in_dim3A_49 {strides = array<i32>} : memref<51x512xf32, #tpu.memory_space<vmem>>, vector<16xf32>,
      %swap3A_253 = arith.index_cast %scan3A_193 : i32 to index
      %swap3A_254 = arith.constant 320 : index
      %swap3A_255 = tpu.vector_load %arg8[%swap3A_253, %swap3A_254] {strides = array<i32>} : memref<51x512xf32, #tpu.memory_space<vmem>>, vector<16xf32>,
      tpu.vector_store %arg8[%swap3A_253, %swap3A_254], %broadcast_in_dim3A_49 {strides = array<i32>} : memref<51x512xf32, #tpu.memory_space<vmem>>, vector<16xf32>,
      %swap3A_256 = arith.index_cast %scan3A_193 : i32 to index
      %swap3A_257 = arith.constant 336 : index
      %swap3A_258 = tpu.vector_load %arg8[%swap3A_256, %swap3A_257] {strides = array<i32>} : memref<51x512xf32, #tpu.memory_space<vmem>>, vector<16xf32>,
      tpu.vector_store %arg8[%swap3A_256, %swap3A_257], %broadcast_in_dim3A_49 {strides = array<i32>} : memref<51x512xf32, #tpu.memory_space<vmem>>, vector<16xf32>,
      %swap3A_259 = arith.index_cast %scan3A_193 : i32 to index
      %swap3A_260 = arith.constant 352 : index
      %swap3A_261 = tpu.vector_load %arg8[%swap3A_259, %swap3A_260] {strides = array<i32>} : memref<51x512xf32, #tpu.memory_space<vmem>>, vector<16xf32>,
      tpu.vector_store %arg8[%swap3A_259, %swap3A_260], %broadcast_in_dim3A_49 {strides = array<i32>} : memref<51x512xf32, #tpu.memory_space<vmem>>, vector<16xf32>,
      %swap3A_262 = arith.index_cast %scan3A_193 : i32 to index
      %swap3A_263 = arith.constant 368 : index
      %swap3A_264 = tpu.vector_load %arg8[%swap3A_262, %swap3A_263] {strides = array<i32>} : memref<51x512xf32, #tpu.memory_space<vmem>>, vector<16xf32>,
      tpu.vector_store %arg8[%swap3A_262, %swap3A_263], %broadcast_in_dim3A_49 {strides = array<i32>} : memref<51x512xf32, #tpu.memory_space<vmem>>, vector<16xf32>,
      %swap3A_265 = arith.index_cast %scan3A_193 : i32 to index
      %swap3A_266 = arith.constant 384 : index
      %swap3A_267 = tpu.vector_load %arg8[%swap3A_265, %swap3A_266] {strides = array<i32>} : memref<51x512xf32, #tpu.memory_space<vmem>>, vector<16xf32>,
      tpu.vector_store %arg8[%swap3A_265, %swap3A_266], %broadcast_in_dim3A_49 {strides = array<i32>} : memref<51x512xf32, #tpu.memory_space<vmem>>, vector<16xf32>,
      %swap3A_268 = arith.index_cast %scan3A_193 : i32 to index
      %swap3A_269 = arith.constant 400 : index
      %swap3A_270 = tpu.vector_load %arg8[%swap3A_268, %swap3A_269] {strides = array<i32>} : memref<51x512xf32, #tpu.memory_space<vmem>>, vector<16xf32>,
      tpu.vector_store %arg8[%swap3A_268, %swap3A_269], %broadcast_in_dim3A_49 {strides = array<i32>} : memref<51x512xf32, #tpu.memory_space<vmem>>, vector<16xf32>,
      %swap3A_271 = arith.index_cast %scan3A_193 : i32 to index
      %swap3A_272 = arith.constant 416 : index
      %swap3A_273 = tpu.vector_load %arg8[%swap3A_271, %swap3A_272] {strides = array<i32>} : memref<51x512xf32, #tpu.memory_space<vmem>>, vector<16xf32>,
      tpu.vector_store %arg8[%swap3A_271, %swap3A_272], %broadcast_in_dim3A_49 {strides = array<i32>} : memref<51x512xf32, #tpu.memory_space<vmem>>, vector<16xf32>,
      %swap3A_274 = arith.index_cast %scan3A_193 : i32 to index
      %swap3A_275 = arith.constant 432 : index
      %swap3A_276 = tpu.vector_load %arg8[%swap3A_274, %swap3A_275] {strides = array<i32>} : memref<51x512xf32, #tpu.memory_space<vmem>>, vector<16xf32>,
      tpu.vector_store %arg8[%swap3A_274, %swap3A_275], %broadcast_in_dim3A_49 {strides = array<i32>} : memref<51x512xf32, #tpu.memory_space<vmem>>, vector<16xf32>,
      %swap3A_277 = arith.index_cast %scan3A_193 : i32 to index
      %swap3A_278 = arith.constant 448 : index
      %swap3A_279 = tpu.vector_load %arg8[%swap3A_277, %swap3A_278] {strides = array<i32>} : memref<51x512xf32, #tpu.memory_space<vmem>>, vector<16xf32>,
      tpu.vector_store %arg8[%swap3A_277, %swap3A_278], %broadcast_in_dim3A_49 {strides = array<i32>} : memref<51x512xf32, #tpu.memory_space<vmem>>, vector<16xf32>,
      %swap3A_280 = arith.index_cast %scan3A_193 : i32 to index
      %swap3A_281 = arith.constant 464 : index
      %swap3A_282 = tpu.vector_load %arg8[%swap3A_280, %swap3A_281] {strides = array<i32>} : memref<51x512xf32, #tpu.memory_space<vmem>>, vector<16xf32>,
      tpu.vector_store %arg8[%swap3A_280, %swap3A_281], %broadcast_in_dim3A_49 {strides = array<i32>} : memref<51x512xf32, #tpu.memory_space<vmem>>, vector<16xf32>,
      %swap3A_283 = arith.index_cast %scan3A_193 : i32 to index
      %swap3A_284 = arith.constant 480 : index
      %swap3A_285 = tpu.vector_load %arg8[%swap3A_283, %swap3A_284] {strides = array<i32>} : memref<51x512xf32, #tpu.memory_space<vmem>>, vector<16xf32>,
      tpu.vector_store %arg8[%swap3A_283, %swap3A_284], %broadcast_in_dim3A_49 {strides = array<i32>} : memref<51x512xf32, #tpu.memory_space<vmem>>, vector<16xf32>,
      %swap3A_286 = arith.index_cast %scan3A_193 : i32 to index
      %swap3A_287 = arith.constant 496 : index
      %swap3A_288 = tpu.vector_load %arg8[%swap3A_286, %swap3A_287] {strides = array<i32>} : memref<51x512xf32, #tpu.memory_space<vmem>>, vector<16xf32>,
      tpu.vector_store %arg8[%swap3A_286, %swap3A_287], %broadcast_in_dim3A_49 {strides = array<i32>} : memref<51x512xf32, #tpu.memory_space<vmem>>, vector<16xf32>,
    }
    %scan3A_55 = arith.constant 51 : i32
    %broadcast_in_dim3A_56 = arith.constant 1.000000e+00 : f32
    %broadcast_in_dim3A_57 = vector.broadcast %broadcast_in_dim3A_56 : f32 to vector<16xf32>
    %dma_wait3A = arith.constant 0 : i32
    %dma_wait3A_58 = tpu.memref_slice %arg7[%dma_wait3A] : memref<512xi32, #tpu.memory_space<vmem>> -> memref<128xi32, #tpu.memory_space<vmem>>
    %dma_wait3A_59 = arith.constant 0 : i32
    %dma_wait3A_60 = tpu.memref_slice %arg6[%dma_wait3A_59] : memref<512xi32, #tpu.memory_space<vmem>> -> memref<128xi32, #tpu.memory_space<vmem>>
    %dma_wait3A_61 = arith.constant 0 : i32
    %dma_wait3A_62 = tpu.memref_slice %arg3[%dma_wait3A_61] : memref<22801xi32, #tpu.memory_space<hbm>> -> memref<22801xi32, #tpu.memory_space<hbm>>
    tpu.wait_indirect_dma semaphore(%arg9 : memref<!tpu.dma_semaphore, #tpu.memory_space<semaphore_mem>>) src(%dma_wait3A_62 : memref<22801xi32, #tpu.memory_space<hbm>>) dst(%dma_wait3A_58 : memref<128xi32, #tpu.memory_space<vmem>>)
    %scan3A_63 = arith.constant 0 : i32
    %scan3A_64 = arith.constant 0 : i32
    %scan3A_65 = arith.constant 8 : i32
    %scan3A_66 = arith.addi %scan3A_64, %scan3A_65 : i32
    %scan3A_67 = arith.constant 1 : i32
    scf.for %scan3A_193 = %scan3A_64 to %scan3A_66 step %scan3A_67  : i32 {
      %mul3A_194 = arith.constant 16 : i32
      %mul3A_195 = arith.muli %scan3A_193, %mul3A_194 : i32
      %multiple_of3A_196 = tpu.assume_multiple %mul3A_195, 16 : i32
      %get3A = arith.index_cast %multiple_of3A_196 : i32 to index
      %get3A_197 = tpu.vector_load %arg7[%get3A] {strides = array<i32>} : memref<512xi32, #tpu.memory_space<vmem>>, vector<16xi32>,
      %add3A_198 = vector.broadcast %multiple_of3A_196 : i32 to vector<16xi32>
      %add3A_199 = arith.addi %add3A_198, %iota3A : vector<16xi32>
      tpu.vector_store_idx %arg8[%get3A_197, %add3A_199], %broadcast_in_dim3A_57 : memref<51x512xf32, #tpu.memory_space<vmem>>[vector<16xi32>, vector<16xi32>], vector<16xf32>,
    }
    %scan3A_68 = arith.constant 8 : i32
    %add3A_69 = arith.constant 0 : i32
    %add3A_70 = arith.addi %multiple_of3A, %add3A_69 : i32
    %dma_start3A_71 = arith.constant 0 : i32
    %dma_start3A_72 = arith.constant 0 : i32
    %dma_start3A_73 = tpu.memref_slice %arg8[%dma_start3A_71, %dma_start3A_72] : memref<51x512xf32, #tpu.memory_space<vmem>> -> memref<51x128xf32, #tpu.memory_space<vmem>>
    %dma_start3A_74 = arith.constant 0 : i32
    %dma_start3A_75 = tpu.memref_slice %arg4[%dma_start3A_74, %add3A_70] : memref<51x16384xf32, #tpu.memory_space<hbm>> -> memref<51x128xf32, #tpu.memory_space<hbm>>
    %dma_start3A_76 = arith.constant 0 : i32
    %dma_start3A_77 = tpu.memref_slice %arg4[%dma_start3A_76, %add3A_70] : memref<51x16384xf32, #tpu.memory_space<hbm>> -> memref<51x128xf32, #tpu.memory_space<hbm>>
    %dma_start3A_78 = arith.constant 0 : i32
    %dma_start3A_79 = arith.constant 0 : i32
    %dma_start3A_80 = tpu.memref_slice %arg8[%dma_start3A_78, %dma_start3A_79] : memref<51x512xf32, #tpu.memory_space<vmem>> -> memref<51x128xf32, #tpu.memory_space<vmem>>
    tpu.enqueue_dma source(%dma_start3A_80 : memref<51x128xf32, #tpu.memory_space<vmem>>) target(%dma_start3A_77 : memref<51x128xf32, #tpu.memory_space<hbm>>) target_semaphore(%arg13 : memref<!tpu.dma_semaphore, #tpu.memory_space<semaphore_mem>>)
    %dma_wait3A_81 = arith.constant 128 : i32
    %dma_wait3A_82 = tpu.memref_slice %arg7[%dma_wait3A_81] : memref<512xi32, #tpu.memory_space<vmem>> -> memref<128xi32, #tpu.memory_space<vmem>>
    %dma_wait3A_83 = arith.constant 128 : i32
    %dma_wait3A_84 = tpu.memref_slice %arg6[%dma_wait3A_83] : memref<512xi32, #tpu.memory_space<vmem>> -> memref<128xi32, #tpu.memory_space<vmem>>
    %dma_wait3A_85 = arith.constant 0 : i32
    %dma_wait3A_86 = tpu.memref_slice %arg3[%dma_wait3A_85] : memref<22801xi32, #tpu.memory_space<hbm>> -> memref<22801xi32, #tpu.memory_space<hbm>>
    tpu.wait_indirect_dma semaphore(%arg10 : memref<!tpu.dma_semaphore, #tpu.memory_space<semaphore_mem>>) src(%dma_wait3A_86 : memref<22801xi32, #tpu.memory_space<hbm>>) dst(%dma_wait3A_82 : memref<128xi32, #tpu.memory_space<vmem>>)
    %scan3A_87 = arith.constant 0 : i32
    %scan3A_88 = arith.constant 8 : i32
    %scan3A_89 = arith.constant 8 : i32
    %scan3A_90 = arith.addi %scan3A_88, %scan3A_89 : i32
    %scan3A_91 = arith.constant 1 : i32
    scf.for %scan3A_193 = %scan3A_88 to %scan3A_90 step %scan3A_91  : i32 {
      %mul3A_194 = arith.constant 16 : i32
      %mul3A_195 = arith.muli %scan3A_193, %mul3A_194 : i32
      %multiple_of3A_196 = tpu.assume_multiple %mul3A_195, 16 : i32
      %get3A = arith.index_cast %multiple_of3A_196 : i32 to index
      %get3A_197 = tpu.vector_load %arg7[%get3A] {strides = array<i32>} : memref<512xi32, #tpu.memory_space<vmem>>, vector<16xi32>,
      %add3A_198 = vector.broadcast %multiple_of3A_196 : i32 to vector<16xi32>
      %add3A_199 = arith.addi %add3A_198, %iota3A : vector<16xi32>
      tpu.vector_store_idx %arg8[%get3A_197, %add3A_199], %broadcast_in_dim3A_57 : memref<51x512xf32, #tpu.memory_space<vmem>>[vector<16xi32>, vector<16xi32>], vector<16xf32>,
    }
    %scan3A_92 = arith.constant 8 : i32
    %add3A_93 = arith.constant 128 : i32
    %add3A_94 = arith.addi %multiple_of3A, %add3A_93 : i32
    %dma_start3A_95 = arith.constant 0 : i32
    %dma_start3A_96 = arith.constant 128 : i32
    %dma_start3A_97 = tpu.memref_slice %arg8[%dma_start3A_95, %dma_start3A_96] : memref<51x512xf32, #tpu.memory_space<vmem>> -> memref<51x128xf32, #tpu.memory_space<vmem>>
    %dma_start3A_98 = arith.constant 0 : i32
    %dma_start3A_99 = tpu.memref_slice %arg4[%dma_start3A_98, %add3A_94] : memref<51x16384xf32, #tpu.memory_space<hbm>> -> memref<51x128xf32, #tpu.memory_space<hbm>>
    %dma_start3A_100 = arith.constant 0 : i32
    %dma_start3A_101 = tpu.memref_slice %arg4[%dma_start3A_100, %add3A_94] : memref<51x16384xf32, #tpu.memory_space<hbm>> -> memref<51x128xf32, #tpu.memory_space<hbm>>
    %dma_start3A_102 = arith.constant 0 : i32
    %dma_start3A_103 = arith.constant 128 : i32
    %dma_start3A_104 = tpu.memref_slice %arg8[%dma_start3A_102, %dma_start3A_103] : memref<51x512xf32, #tpu.memory_space<vmem>> -> memref<51x128xf32, #tpu.memory_space<vmem>>
    tpu.enqueue_dma source(%dma_start3A_104 : memref<51x128xf32, #tpu.memory_space<vmem>>) target(%dma_start3A_101 : memref<51x128xf32, #tpu.memory_space<hbm>>) target_semaphore(%arg13 : memref<!tpu.dma_semaphore, #tpu.memory_space<semaphore_mem>>)
    %dma_wait3A_105 = arith.constant 256 : i32
    %dma_wait3A_106 = tpu.memref_slice %arg7[%dma_wait3A_105] : memref<512xi32, #tpu.memory_space<vmem>> -> memref<128xi32, #tpu.memory_space<vmem>>
    %dma_wait3A_107 = arith.constant 256 : i32
    %dma_wait3A_108 = tpu.memref_slice %arg6[%dma_wait3A_107] : memref<512xi32, #tpu.memory_space<vmem>> -> memref<128xi32, #tpu.memory_space<vmem>>
    %dma_wait3A_109 = arith.constant 0 : i32
    %dma_wait3A_110 = tpu.memref_slice %arg3[%dma_wait3A_109] : memref<22801xi32, #tpu.memory_space<hbm>> -> memref<22801xi32, #tpu.memory_space<hbm>>
    tpu.wait_indirect_dma semaphore(%arg11 : memref<!tpu.dma_semaphore, #tpu.memory_space<semaphore_mem>>) src(%dma_wait3A_110 : memref<22801xi32, #tpu.memory_space<hbm>>) dst(%dma_wait3A_106 : memref<128xi32, #tpu.memory_space<vmem>>)
    %scan3A_111 = arith.constant 0 : i32
    %scan3A_112 = arith.constant 16 : i32
    %scan3A_113 = arith.constant 8 : i32
    %scan3A_114 = arith.addi %scan3A_112, %scan3A_113 : i32
    %scan3A_115 = arith.constant 1 : i32
    scf.for %scan3A_193 = %scan3A_112 to %scan3A_114 step %scan3A_115  : i32 {
      %mul3A_194 = arith.constant 16 : i32
      %mul3A_195 = arith.muli %scan3A_193, %mul3A_194 : i32
      %multiple_of3A_196 = tpu.assume_multiple %mul3A_195, 16 : i32
      %get3A = arith.index_cast %multiple_of3A_196 : i32 to index
      %get3A_197 = tpu.vector_load %arg7[%get3A] {strides = array<i32>} : memref<512xi32, #tpu.memory_space<vmem>>, vector<16xi32>,
      %add3A_198 = vector.broadcast %multiple_of3A_196 : i32 to vector<16xi32>
      %add3A_199 = arith.addi %add3A_198, %iota3A : vector<16xi32>
      tpu.vector_store_idx %arg8[%get3A_197, %add3A_199], %broadcast_in_dim3A_57 : memref<51x512xf32, #tpu.memory_space<vmem>>[vector<16xi32>, vector<16xi32>], vector<16xf32>,
    }
    %scan3A_116 = arith.constant 8 : i32
    %add3A_117 = arith.constant 256 : i32
    %add3A_118 = arith.addi %multiple_of3A, %add3A_117 : i32
    %dma_start3A_119 = arith.constant 0 : i32
    %dma_start3A_120 = arith.constant 256 : i32
    %dma_start3A_121 = tpu.memref_slice %arg8[%dma_start3A_119, %dma_start3A_120] : memref<51x512xf32, #tpu.memory_space<vmem>> -> memref<51x128xf32, #tpu.memory_space<vmem>>
    %dma_start3A_122 = arith.constant 0 : i32
    %dma_start3A_123 = tpu.memref_slice %arg4[%dma_start3A_122, %add3A_118] : memref<51x16384xf32, #tpu.memory_space<hbm>> -> memref<51x128xf32, #tpu.memory_space<hbm>>
    %dma_start3A_124 = arith.constant 0 : i32
    %dma_start3A_125 = tpu.memref_slice %arg4[%dma_start3A_124, %add3A_118] : memref<51x16384xf32, #tpu.memory_space<hbm>> -> memref<51x128xf32, #tpu.memory_space<hbm>>
    %dma_start3A_126 = arith.constant 0 : i32
    %dma_start3A_127 = arith.constant 256 : i32
    %dma_start3A_128 = tpu.memref_slice %arg8[%dma_start3A_126, %dma_start3A_127] : memref<51x512xf32, #tpu.memory_space<vmem>> -> memref<51x128xf32, #tpu.memory_space<vmem>>
    tpu.enqueue_dma source(%dma_start3A_128 : memref<51x128xf32, #tpu.memory_space<vmem>>) target(%dma_start3A_125 : memref<51x128xf32, #tpu.memory_space<hbm>>) target_semaphore(%arg13 : memref<!tpu.dma_semaphore, #tpu.memory_space<semaphore_mem>>)
    %dma_wait3A_129 = arith.constant 384 : i32
    %dma_wait3A_130 = tpu.memref_slice %arg7[%dma_wait3A_129] : memref<512xi32, #tpu.memory_space<vmem>> -> memref<128xi32, #tpu.memory_space<vmem>>
    %dma_wait3A_131 = arith.constant 384 : i32
    %dma_wait3A_132 = tpu.memref_slice %arg6[%dma_wait3A_131] : memref<512xi32, #tpu.memory_space<vmem>> -> memref<128xi32, #tpu.memory_space<vmem>>
    %dma_wait3A_133 = arith.constant 0 : i32
    %dma_wait3A_134 = tpu.memref_slice %arg3[%dma_wait3A_133] : memref<22801xi32, #tpu.memory_space<hbm>> -> memref<22801xi32, #tpu.memory_space<hbm>>
    tpu.wait_indirect_dma semaphore(%arg12 : memref<!tpu.dma_semaphore, #tpu.memory_space<semaphore_mem>>) src(%dma_wait3A_134 : memref<22801xi32, #tpu.memory_space<hbm>>) dst(%dma_wait3A_130 : memref<128xi32, #tpu.memory_space<vmem>>)
    %scan3A_135 = arith.constant 0 : i32
    %scan3A_136 = arith.constant 24 : i32
    %scan3A_137 = arith.constant 8 : i32
    %scan3A_138 = arith.addi %scan3A_136, %scan3A_137 : i32
    %scan3A_139 = arith.constant 1 : i32
    scf.for %scan3A_193 = %scan3A_136 to %scan3A_138 step %scan3A_139  : i32 {
      %mul3A_194 = arith.constant 16 : i32
      %mul3A_195 = arith.muli %scan3A_193, %mul3A_194 : i32
      %multiple_of3A_196 = tpu.assume_multiple %mul3A_195, 16 : i32
      %get3A = arith.index_cast %multiple_of3A_196 : i32 to index
      %get3A_197 = tpu.vector_load %arg7[%get3A] {strides = array<i32>} : memref<512xi32, #tpu.memory_space<vmem>>, vector<16xi32>,
      %add3A_198 = vector.broadcast %multiple_of3A_196 : i32 to vector<16xi32>
      %add3A_199 = arith.addi %add3A_198, %iota3A : vector<16xi32>
      tpu.vector_store_idx %arg8[%get3A_197, %add3A_199], %broadcast_in_dim3A_57 : memref<51x512xf32, #tpu.memory_space<vmem>>[vector<16xi32>, vector<16xi32>], vector<16xf32>,
    }
    %scan3A_140 = arith.constant 8 : i32
    %add3A_141 = arith.constant 384 : i32
    %add3A_142 = arith.addi %multiple_of3A, %add3A_141 : i32
    %dma_start3A_143 = arith.constant 0 : i32
    %dma_start3A_144 = arith.constant 384 : i32
    %dma_start3A_145 = tpu.memref_slice %arg8[%dma_start3A_143, %dma_start3A_144] : memref<51x512xf32, #tpu.memory_space<vmem>> -> memref<51x128xf32, #tpu.memory_space<vmem>>
    %dma_start3A_146 = arith.constant 0 : i32
    %dma_start3A_147 = tpu.memref_slice %arg4[%dma_start3A_146, %add3A_142] : memref<51x16384xf32, #tpu.memory_space<hbm>> -> memref<51x128xf32, #tpu.memory_space<hbm>>
    %dma_start3A_148 = arith.constant 0 : i32
    %dma_start3A_149 = tpu.memref_slice %arg4[%dma_start3A_148, %add3A_142] : memref<51x16384xf32, #tpu.memory_space<hbm>> -> memref<51x128xf32, #tpu.memory_space<hbm>>
    %dma_start3A_150 = arith.constant 0 : i32
    %dma_start3A_151 = arith.constant 384 : i32
    %dma_start3A_152 = tpu.memref_slice %arg8[%dma_start3A_150, %dma_start3A_151] : memref<51x512xf32, #tpu.memory_space<vmem>> -> memref<51x128xf32, #tpu.memory_space<vmem>>
    tpu.enqueue_dma source(%dma_start3A_152 : memref<51x128xf32, #tpu.memory_space<vmem>>) target(%dma_start3A_149 : memref<51x128xf32, #tpu.memory_space<hbm>>) target_semaphore(%arg13 : memref<!tpu.dma_semaphore, #tpu.memory_space<semaphore_mem>>)
    %dma_wait3A_153 = arith.constant 0 : i32
    %dma_wait3A_154 = arith.constant 0 : i32
    %dma_wait3A_155 = tpu.memref_slice %arg8[%dma_wait3A_153, %dma_wait3A_154] : memref<51x512xf32, #tpu.memory_space<vmem>> -> memref<51x128xf32, #tpu.memory_space<vmem>>
    %dma_wait3A_156 = arith.constant 0 : i32
    %dma_wait3A_157 = tpu.memref_slice %arg4[%dma_wait3A_156, %add3A_70] : memref<51x16384xf32, #tpu.memory_space<hbm>> -> memref<51x128xf32, #tpu.memory_space<hbm>>
    %dma_wait3A_158 = arith.constant 0 : i32
    %dma_wait3A_159 = tpu.memref_slice %arg4[%dma_wait3A_158, %add3A_70] : memref<51x16384xf32, #tpu.memory_space<hbm>> -> memref<51x128xf32, #tpu.memory_space<hbm>>
    %dma_wait3A_160 = arith.constant 0 : i32
    %dma_wait3A_161 = arith.constant 0 : i32
    %dma_wait3A_162 = tpu.memref_slice %arg8[%dma_wait3A_160, %dma_wait3A_161] : memref<51x512xf32, #tpu.memory_space<vmem>> -> memref<51x128xf32, #tpu.memory_space<vmem>>
    tpu.wait_dma2 semaphore(%arg13 : memref<!tpu.dma_semaphore, #tpu.memory_space<semaphore_mem>>) src(%dma_wait3A_162 : memref<51x128xf32, #tpu.memory_space<vmem>>) dst(%dma_wait3A_159 : memref<51x128xf32, #tpu.memory_space<hbm>>)
    %dma_wait3A_163 = arith.constant 0 : i32
    %dma_wait3A_164 = arith.constant 128 : i32
    %dma_wait3A_165 = tpu.memref_slice %arg8[%dma_wait3A_163, %dma_wait3A_164] : memref<51x512xf32, #tpu.memory_space<vmem>> -> memref<51x128xf32, #tpu.memory_space<vmem>>
    %dma_wait3A_166 = arith.constant 0 : i32
    %dma_wait3A_167 = tpu.memref_slice %arg4[%dma_wait3A_166, %add3A_94] : memref<51x16384xf32, #tpu.memory_space<hbm>> -> memref<51x128xf32, #tpu.memory_space<hbm>>
    %dma_wait3A_168 = arith.constant 0 : i32
    %dma_wait3A_169 = tpu.memref_slice %arg4[%dma_wait3A_168, %add3A_94] : memref<51x16384xf32, #tpu.memory_space<hbm>> -> memref<51x128xf32, #tpu.memory_space<hbm>>
    %dma_wait3A_170 = arith.constant 0 : i32
    %dma_wait3A_171 = arith.constant 128 : i32
    %dma_wait3A_172 = tpu.memref_slice %arg8[%dma_wait3A_170, %dma_wait3A_171] : memref<51x512xf32, #tpu.memory_space<vmem>> -> memref<51x128xf32, #tpu.memory_space<vmem>>
    tpu.wait_dma2 semaphore(%arg13 : memref<!tpu.dma_semaphore, #tpu.memory_space<semaphore_mem>>) src(%dma_wait3A_172 : memref<51x128xf32, #tpu.memory_space<vmem>>) dst(%dma_wait3A_169 : memref<51x128xf32, #tpu.memory_space<hbm>>)
    %dma_wait3A_173 = arith.constant 0 : i32
    %dma_wait3A_174 = arith.constant 256 : i32
    %dma_wait3A_175 = tpu.memref_slice %arg8[%dma_wait3A_173, %dma_wait3A_174] : memref<51x512xf32, #tpu.memory_space<vmem>> -> memref<51x128xf32, #tpu.memory_space<vmem>>
    %dma_wait3A_176 = arith.constant 0 : i32
    %dma_wait3A_177 = tpu.memref_slice %arg4[%dma_wait3A_176, %add3A_118] : memref<51x16384xf32, #tpu.memory_space<hbm>> -> memref<51x128xf32, #tpu.memory_space<hbm>>
    %dma_wait3A_178 = arith.constant 0 : i32
    %dma_wait3A_179 = tpu.memref_slice %arg4[%dma_wait3A_178, %add3A_118] : memref<51x16384xf32, #tpu.memory_space<hbm>> -> memref<51x128xf32, #tpu.memory_space<hbm>>
    %dma_wait3A_180 = arith.constant 0 : i32
    %dma_wait3A_181 = arith.constant 256 : i32
    %dma_wait3A_182 = tpu.memref_slice %arg8[%dma_wait3A_180, %dma_wait3A_181] : memref<51x512xf32, #tpu.memory_space<vmem>> -> memref<51x128xf32, #tpu.memory_space<vmem>>
    tpu.wait_dma2 semaphore(%arg13 : memref<!tpu.dma_semaphore, #tpu.memory_space<semaphore_mem>>) src(%dma_wait3A_182 : memref<51x128xf32, #tpu.memory_space<vmem>>) dst(%dma_wait3A_179 : memref<51x128xf32, #tpu.memory_space<hbm>>)
    %dma_wait3A_183 = arith.constant 0 : i32
    %dma_wait3A_184 = arith.constant 384 : i32
    %dma_wait3A_185 = tpu.memref_slice %arg8[%dma_wait3A_183, %dma_wait3A_184] : memref<51x512xf32, #tpu.memory_space<vmem>> -> memref<51x128xf32, #tpu.memory_space<vmem>>
    %dma_wait3A_186 = arith.constant 0 : i32
    %dma_wait3A_187 = tpu.memref_slice %arg4[%dma_wait3A_186, %add3A_142] : memref<51x16384xf32, #tpu.memory_space<hbm>> -> memref<51x128xf32, #tpu.memory_space<hbm>>
    %dma_wait3A_188 = arith.constant 0 : i32
    %dma_wait3A_189 = tpu.memref_slice %arg4[%dma_wait3A_188, %add3A_142] : memref<51x16384xf32, #tpu.memory_space<hbm>> -> memref<51x128xf32, #tpu.memory_space<hbm>>
    %dma_wait3A_190 = arith.constant 0 : i32
    %dma_wait3A_191 = arith.constant 384 : i32
    %dma_wait3A_192 = tpu.memref_slice %arg8[%dma_wait3A_190, %dma_wait3A_191] : memref<51x512xf32, #tpu.memory_space<vmem>> -> memref<51x128xf32, #tpu.memory_space<vmem>>
    tpu.wait_dma2 semaphore(%arg13 : memref<!tpu.dma_semaphore, #tpu.memory_space<semaphore_mem>>) src(%dma_wait3A_192 : memref<51x128xf32, #tpu.memory_space<vmem>>) dst(%dma_wait3A_189 : memref<51x128xf32, #tpu.memory_space<hbm>>)
    return
  }
}

</mosaic_0001>

<sc_bundles>
// kernel: _kb_bias_sc.3.cloned.1.call-start
scs
__scs_entry_jumppad:
0x0: {  	(pc) =	sbr.rel $0x88, $3  }
0x1: {  	(tag) =	ssettag $0x0;
	lr =	simm.s32 $0x1  }
0x2: {  	[smem:$0x3F9F] =	sst lr;
	_ =	strace $0xD0000000  }
0x3: {  	_ = 	snop  }
0x4: {  	_ = 	snop  }
0x5: {  	_ = 	snop  }
0x6: {  	_ = 	snop  }
0x7: {  	_ = 	snop  }
__scs_overlays_trampoline_lowered:
0x8: {  	[smem:$0x3FAE] =	sst s0  }
0x9: {  	[smem:$0x3FAF] =	sst s1  }
0xa: {  	[smem:$0x3FB0] =	sst s2  }
0xb: {  	[smem:$0x3FB1] =	sst s3  }
0xc: {  	[smem:$0x3FB2] =	sst s4  }
0xd: {  	[smem:$0x3FB3] =	sst s5  }
0xe: {  	[smem:$0x3FB4] =	sst s6  }
0xf: {  	[smem:$0x3FB5] =	sst s7  }
0x10: {  	[smem:$0x3FB6] =	sst s8  }
0x11: {  	[smem:$0x3FB7] =	sst s9;
	s0 =	simm.s32 @!p0 $0x0  }
0x12: {  	s1 =	sld [smem:$0x3F9D];
	s0 =	simm.s32 @p0 $0x1  }
0x13: {  	[smem:$0x3FB8] =	sst s0;
	s0 =	simm.s32 @!p1 $0x0  }
0x14: {  	s2 =	sld [smem:$0x3F9C];
	s0 =	simm.s32 @p1 $0x1  }
0x15: {  	[smem:$0x3FB9] =	sst s0;
	s0 =	simm.s32 @!p2 $0x0  }
0x16: {  	s3 =	sld [smem:$0x3FDB];
	s0 =	simm.s32 @p2 $0x1  }
0x17: {  	s4 =	simm.s32 $0x1BF5;
	[smem:$0x3FBB] =	sst s0  }
0x18: {  	s0 =	sld [smem:$0x3F9E];
	_ =	swait.ge [sflag:s4], $0x0  }
0x19: {  	s7 =	sld [smem:$0x3F9F]  }
0x1a: {  	s8 =	sadd.s32 $0xFFFFE003, lr  }
0x1b: {  	s9 =	sadd.s32 $0xFFFFFEF7, lr;
	s5 =	simm.s32 $0xFFFFFFFF;
	p2 =	slt.u32 s8, $0xFFFFF086  }
0x1c: {  	p1 =	slt.u32 s9, $0xF7A;
	s5 =	simm.s32 @!p2 $0x0  }
0x1d: {  	s5 =	simm.s32 @p1 $0x1;
	p0 =	seq.s32 s7, s2  }
0x1e: {  	s7 =	smul.u32 @!p0 $0xF7A, s2;
	p2 =	seq.s32 @!p0 s5, $0x0  }
0x1f: {  	s9 =	smul.u32 $0xF7A, s1;
	s8 =	simm.s32 @!p0 $0x1BF5;
	p2 =	por !p2, p0  }
0x20: {  	[sflag:s8] =	ssyncset.s32 @!p0 $0xFFFFF086;
	s6 =	sadd.s32 @!p0 s3, s7;
	s7 =	simm.s32 @!p0 $0x108  }
0x21: {  	s3 =	sadd.s32 s3, s9;
	s6 =	sadd.s32 @!p0 $0x88, s6;
	s7 =	simm.s32 @p2 $0x1082  }
0x22: {  	[simem:s7], [sflag:s8] =	dma.local @!p0 [hbm:s6], $0xF7A  }
0x23: {  	s9 =	sor.u32 $0xD0000000, s2;
	s6 =	simm.s32 $0x108;
	_ =	swait.ge @!p0 [sflag:s8], $0x0  }
0x24: {  	s3 =	sadd.s32 $0x88, s3;
	s6 =	simm.s32 @!p1 $0x1082;
	[sflag:s4] =	ssyncset.s32 $0xFFFFF086  }
0x25: {  	[simem:s6], [sflag:s4] =	dma.local [hbm:s3], $0xF7A  }
0x26: {  	[smem:$0x3F9F] =	sst s1;
	(tag) =	ssettag s2;
	_ =	strace s9  }
0x27: {  	s1 =	sld [smem:$0x3FAF]  }
0x28: {  	s2 =	sld [smem:$0x3FB0]  }
0x29: {  	s4 =	sld [smem:$0x3FB2]  }
0x2a: {  	p0 =	seq.s32 s5, $0x0;
	s5 =	sld [smem:$0x3FB3]  }
0x2b: {  	s6 =	sld [smem:$0x3FB4]  }
0x2c: {  	s7 =	sld [smem:$0x3FB5]  }
0x2d: {  	s3 =	simm.s32 $0x108;
	s8 =	sld [smem:$0x3FB6]  }
0x2e: {  	s3 =	simm.s32 @!p0 $0x1082;
	s9 =	sld [smem:$0x3FB7]  }
0x2f: {  	lr =	sadd.s32 s0, s3;
	s0 =	sld [smem:$0x3FAE]  }
0x30: {  	s3 =	sld [smem:$0x3FB1]  }
0x31: {  	[smem:$0x3FBA] =	sst s10  }
0x32: {  	s10 =	sld [smem:$0x3FB8];
	_ =	sdelay $0x3  }
0x33: {  	p0 =	seq.s32 s10, $0x1;
	s10 =	sld [smem:$0x3FBA];
	_ =	sdelay $0x3  }
0x34: {  	[smem:$0x3FBA] =	sst s10  }
0x35: {  	s10 =	sld [smem:$0x3FB9];
	_ =	sdelay $0x3  }
0x36: {  	p1 =	seq.s32 s10, $0x1;
	s10 =	sld [smem:$0x3FBA];
	_ =	sdelay $0x3  }
0x37: {  	[smem:$0x3FBA] =	sst s10  }
0x38: {  	s10 =	sld [smem:$0x3FBB]  }
0x39: {  	_ = 	snop;
	(pc) =	sbr.ind lr, $3  }
0x3a: {  	_ = 	snop  }
0x3b: {  	_ = 	snop  }
0x3c: {  	p2 =	seq.s32 s10, $0x1;
	s10 =	sld [smem:$0x3FBA]  }
0x3d: {  	_ =	shalt  }
0x3e: {  	_ =	shalt  }
0x3f: {  	_ =	shalt  }
0x40: {  	_ =	shalt  }
0x41: {  	_ =	shalt  }
0x42: {  	_ =	shalt  }
0x43: {  	_ =	shalt  }
0x44: {  	_ =	shalt  }
0x45: {  	_ =	shalt  }
0x46: {  	_ =	shalt  }
0x47: {  	_ =	shalt  }
0x48: {  	_ =	shalt  }
0x49: {  	_ =	shalt  }
0x4a: {  	_ =	shalt  }
0x4b: {  	_ =	shalt  }
0x4c: {  	_ =	shalt  }
0x4d: {  	_ =	shalt  }
0x4e: {  	_ =	shalt  }
0x4f: {  	_ =	shalt  }
0x50: {  	_ =	shalt  }
0x51: {  	_ =	shalt  }
0x52: {  	_ =	shalt  }
0x53: {  	_ =	shalt  }
0x54: {  	_ =	shalt  }
0x55: {  	_ =	shalt  }
0x56: {  	_ =	shalt  }
0x57: {  	_ =	shalt  }
0x58: {  	_ =	shalt  }
0x59: {  	_ =	shalt  }
0x5a: {  	_ =	shalt  }
0x5b: {  	_ =	shalt  }
0x5c: {  	_ =	shalt  }
0x5d: {  	_ =	shalt  }
0x5e: {  	_ =	shalt  }
0x5f: {  	_ =	shalt  }
0x60: {  	_ =	shalt  }
0x61: {  	_ =	shalt  }
0x62: {  	_ =	shalt  }
0x63: {  	_ =	shalt  }
0x64: {  	_ =	shalt  }
0x65: {  	_ =	shalt  }
0x66: {  	_ =	shalt  }
0x67: {  	_ =	shalt  }
0x68: {  	_ =	shalt  }
0x69: {  	_ =	shalt  }
0x6a: {  	_ =	shalt  }
0x6b: {  	_ =	shalt  }
0x6c: {  	_ =	shalt  }
0x6d: {  	_ =	shalt  }
0x6e: {  	_ =	shalt  }
0x6f: {  	_ =	shalt  }
0x70: {  	_ =	shalt  }
0x71: {  	_ =	shalt  }
0x72: {  	_ =	shalt  }
0x73: {  	_ =	shalt  }
0x74: {  	_ =	shalt  }
0x75: {  	_ =	shalt  }
0x76: {  	_ =	shalt  }
0x77: {  	_ =	shalt  }
0x78: {  	_ =	shalt  }
0x79: {  	_ =	shalt  }
0x7a: {  	_ =	shalt  }
0x7b: {  	_ =	shalt  }
0x7c: {  	_ =	shalt  }
0x7d: {  	_ =	shalt  }
0x7e: {  	_ =	shalt  }
0x7f: {  	_ =	shalt  }
0x80: {  	_ =	shalt  }
0x81: {  	_ =	shalt  }
0x82: {  	_ =	shalt  }
0x83: {  	_ =	shalt  }
0x84: {  	_ =	shalt  }
0x85: {  	_ =	shalt  }
0x86: {  	_ =	shalt  }
0x87: {  	_ =	shalt  }
.Lfunc_end0:
.L_simem_size_0:
called_computation_lowered:
.L_overlay_start_0:
0x88: {  	s2 =	sld [smem:$0x3FD9]  }
0x89: {  	s3 =	sld [smem:$0x3FFE];
	_ =	sdelay $0x1  }
0x8a: {  	s1 =	srdreg.scid  }
0x8b: {  	s0 =	sand.u32 $0x1, s1  }
0x8c: {  	s18 =	sshll.u32 s0, $0xA;
	s2 =	sadd.s32 s3, s2  }
0x8d: {  	s2 =	sadd.s32 s2, s18  }
0x8e: {  	[smem:$0x3FC6] =	sst s2  }
0x8f: {  	_ = 	snop  }
0x90: {  	s2 =	sld [smem:$0x3FC9]  }
0x91: {  	s19 =	sld [smem:$0x3FC8]  }
0x92: {  	s4 =	sld [smem:$0x3FD0];
	(tm) =	ssettm $0x1  }
0x93: {  	s5 =	sld [smem:$0x3FFB];
	_ =	sdelay $0x3  }
0x94: {  	_ =	strace s5  }
0x95: {  	s5 =	sld [smem:$0x3FFC];
	_ =	sdelay $0x3  }
0x96: {  	_ =	strace s5  }
0x97: {  	s5 =	sld [smem:$0x3FFD];
	_ =	sdelay $0x3  }
0x98: {  	_ =	strace s5  }
0x99: {  	_ =	strace $0x8FFFFFFF  }
0x9a: {  	s20 =	sld [smem:$0x3FDB];
	_ =	sdelay $0x1  }
0x9b: {  	s6 =	simm.s32 $_scs_section_size  }
0x9c: {  	s7 =	simm.s32 $_size__tile_overlayer_lowered;
	s8 =	simm.s32 $_tile_overlayer_lowered  }
0x9d: {  	s23 =	simm.s32 $0x1BFF;
	s22 =	sshll.u32 s8, $0x1;
	s5 =	sadd.s32 s6, s20  }
0x9e: {  	s9 =	simm.s32 $0x0;
	s21 =	sshll.u32 s7, $0x1;
	s7 =	sadd.s32 s22, s5  }
0x9f: {  	[timem:s9], [sflag:s23] =	dma.local [hbm:s7], s21  }
0xa0: {  	_ =	swait.ge [sflag:s23], s21  }
0xa1: {  	s6 =	ssub.s32 $0x0, s21;
	[sflag:s23] =	ssyncset.done $0x0  }
0xa2: {  	[sflag:s23] =	ssyncadd.s32 s6;
	_ =	sdelay $0x1  }
0xa3: {  	s24 =	simm.s32 $0x1B8B  }
0xa4: {  	_ =	swait.ge [sflag:s24], $0x1  }
0xa5: {  	[sflag:s24] =	ssyncset.done $0x0  }
0xa6: {  	s25 =	simm.s32 $0x1B8E;
	[sflag:s24] =	ssyncadd.s32 $0xFFFFFFFF  }
0xa7: {  	s26 =	simm.s32 $execute0_lowered;
	[smem:$0x3FD2] =	sst s25  }
0xa8: {  	s6 =	sshll.u32 s26, $0x1;
	_ =	strace $0x80000046;
	[dreg:$0x1] =	wrdreg $0xFFFFFFFF  }
0xa9: {  	s28 =	simm.s32 $_size_execute0_lowered;
	s5 =	sadd.s32 s5, s6;
	[dreg:$0x0] =	wrdreg $0x0  }
0xaa: {  	s6 =	sshll.u32 s28, $0x1;
	[dreg:$0x2] =	wrdreg s5  }
0xab: {  	[dreg:$0x3] =	wrdreg s6  }
0xac: {  	[dreg:$0x4] =	wrdreg $0xC0  }
0xad: {  	_ =	task [dreg:s9], $0x5FFFF  }
0xae: {  	[dreg:$0x1] =	wrdreg $0xFFFFFFFF  }
0xaf: {  	[dreg:$0x0] =	wrdreg $0x60  }
0xb0: {  	[dreg:$0x2] =	wrdreg s2  }
0xb1: {  	[dreg:$0x3] =	wrdreg s19  }
0xb2: {  	[dreg:$0x4] =	wrdreg s4  }
0xb3: {  	[dreg:$0x5] =	wrdreg $0x9  }
0xb4: {  	_ =	task.clear_ibuf [dreg:s9], $0x6FFFF;
	_ =	strace $0x90000046  }
0xb5: {  	s29 =	simm.s32 $0x9;
	_ =	strace $0x80000048  }
0xb6: {  	_ =	swait.ge [sflag:s29], $0x1  }
0xb7: {  	[sflag:s29] =	ssyncadd.s32 $0xFFFFFFFF  }
0xb8: {  	_ =	strace $0x90000048  }
0xb9: {  	_ =	sfence  }
0xba: {  	s30 =	sld [smem:$0x0];
	_ =	sdelay $0x2  }
0xbb: {  	s31 =	sshll.u32 s1, $0xD;
	s1 =	sshrl.u32 s1, $0x2  }
0xbc: {  	s3 =	sand.u32 $0x4000, s31;
	s1 =	sadd.s32 s1, s30  }
0xbd: {  	s0 =	sor.u32 s3, s0;
	s1 =	sshll.u32 s1, $0x11  }
0xbe: {  	s0 =	sor.u32 s1, s0  }
0xbf: {  	s0 =	sadd.s32 $0x8F2B, s0  }
0xc0: {  	[sflag:s0] =	ssyncadd.remote.s32 $0x1  }
0xc1: {  	_ =	sfence.sel $0xFFFF  }
0xc2: {  	[dreg:$0x0] =	wrdreg $0xFFFFFFFF;
	(pc) =	sbr.abs _section_cstart, $3  }
0xc3: {  	[dreg:$0x1] =	wrdreg $0xFFFFFFFF  }
0xc4: {  	_ =	task.clear_ibuf [dreg:s9], $0x2FFFF;
	_ =	strace $0x9FFFFFFF  }
0xc5: {  	(tm) =	ssettm $0x7FFFFFFF  }
tec
execute0_lowered:
.L_overlay_start_1:
0x0: {  	(tag) =	ssettag $0x1  }
0x1: {  	s0 =	rddreg [dreg:$0x0]  }
0x2: {  	s1 =	rddreg [dreg:$0x1]  }
0x3: {  	s2 =	rddreg [dreg:$0x2];
	s3 =	simm.s32 $0x0  }
0x4: {  	s4 =	srdreg.scid;
	s6 =	stileid.u32;
	s10 =	simm.s32 $0x6  }
0x5: {  	s11 =	simm.s32 $0x80;
	s20 =	simm.s32 $0x1;
	s21 =	simm.s32 $0x800  }
0x6: {  	s31 =	simm.s32 $0x2;
	s17 =	simm.s32 $0x3;
	s30 =	simm.s32 $0x4  }
0x7: {  	s12 =	simm.s32 $0x3400;
	s13 =	simm.s32 $0x4400;
	s14 =	simm.s32 $0x5400  }
0x8: {  	s15 =	simm.s32 $0x6400;
	s16 =	simm.s32 $0x7400;
	s18 =	simm.s32 $0x5  }
0x9: {  	s19 =	simm.s32 $0x0;
	[smem:$0x7FF] =	sst s3;
	s4 =	sand.u32 $0x1, s4  }
0xa: {  	s6 =	sshll.u32 s6, $0xA;
	s5 =	ssub.s32 $0x2, s4;
	s4 =	sshll.u32 s4, $0x9  }
0xb: {  	_ =	strace $0x80000047;
	s7 =	sshrl.u32 s5, $0x1;
	s4 =	sor.u32 s4, s6  }
0xc: {  	s9 =	ssub.s32 s5, s7;
	s29 =	sshrl.u32 s4, $0x2;
	s4 =	sadd.s32 s2, s4  }
0xd: {  	s2 =	simm.s32 $0x2400;
	s5 =	sadd.s32 s0, s29;
	s6 =	sadd.s32 $0x80, s4  }
0xe: {  	s7 =	sadd.s32 $0x100, s4;
	s8 =	sadd.s32 $0x180, s4;
	s9 =	smax.u32 s9, $0x1  }
0xf: {  	v0 =	vimm.f32 $0.0e+00;
	v1 =	vlaneseq.u32;
	v2 =	vimm.f32 $1.000000000e+00;
	s22 =	sadd.s32 $0x4000, s4;
	s24 =	sadd.s32 $0x8000, s4;
	s0 =	simm.s32 $0x1400  }
.LBB2_1:
0x10: {  	[tilespmem:s3], [sflag:$0x6] =	stream.linear.gather [hbm4b:s5+s3], $0x400, $0x38;
	[tilespmem:$0x7800] =	vst v63  }
0x11: {  	_ =	swait.ge [sflag:s10], $0x400  }
0x12: {  	[sflag:s10] =	ssyncset.done $0x0  }
0x13: {  	[sflag:s10] =	ssyncadd.s32 $0xFFFFFC00  }
0x14: {  	v3 =	vld [tilespmem:$0x0]  }
0x15: {  	v4 =	vld [tilespmem:$0x80]  }
0x16: {  	v5 =	vld [tilespmem:$0x10]  }
0x17: {  	v6 =	vld [tilespmem:$0x90]  }
0x18: {  	v7 =	vld [tilespmem:$0x20]  }
0x19: {  	v8 =	vld [tilespmem:$0xA0]  }
0x1a: {  	v9 =	vld [tilespmem:$0x30]  }
0x1b: {  	v10 =	vld [tilespmem:$0xB0]  }
0x1c: {  	v11 =	vld [tilespmem:$0x40]  }
0x1d: {  	v12 =	vld [tilespmem:$0xC0]  }
0x1e: {  	v13 =	vld [tilespmem:$0x50]  }
0x1f: {  	v14 =	vld [tilespmem:$0xD0];
	v3 =	vmul.u32 $0x97, v3  }
0x20: {  	v15 =	vld [tilespmem:$0x60];
	v5 =	vmul.u32 $0x97, v5  }
0x21: {  	v41 =	vld [tilespmem:$0x70];
	v40 =	vmul.u32 $0x97, v7;
	v3 =	vadd.s32 v4, v3  }
0x22: {  	v43 =	vld [tilespmem:$0xE0];
	v42 =	vmul.u32 $0x97, v9;
	[tilespmem:$0x400] =	vst v3;
	v3 =	vadd.s32 v6, v5  }
0x23: {  	v45 =	vld [tilespmem:$0xF0];
	v44 =	vmul.u32 $0x97, v11;
	[tilespmem:$0x410] =	vst v3;
	v3 =	vadd.s32 v8, v40  }
0x24: {  	v46 =	vmul.u32 $0x97, v13;
	[tilespmem:$0x420] =	vst v3;
	v3 =	vadd.s32 v10, v42  }
0x25: {  	v47 =	vmul.u32 $0x97, v15;
	[tilespmem:$0x430] =	vst v3;
	v3 =	vadd.s32 v12, v44  }
0x26: {  	v48 =	vmul.u32 $0x97, v41;
	[tilespmem:$0x440] =	vst v3;
	v3 =	vadd.s32 v14, v46  }
0x27: {  	[tilespmem:$0x450] =	vst v3;
	v3 =	vadd.s32 v43, v47  }
0x28: {  	[tilespmem:$0x460] =	vst v3;
	v3 =	vadd.s32 v45, v48  }
0x29: {  	s23 =	simm.s32 $0x400;
	s25 =	simm.s32 $0x600;
	[tilespmem:$0x470] =	vst v3  }
0x2a: {  	[tilespmem:s25], [sflag:$0x1] =	stream.indirect.gather [hbm4b:s1+s11], $0x1, s23, s11, $0xb8;
	[tilespmem:$0x7800] =	vst v63  }
0x2b: {  	v3 =	vld [tilespmem:$0x100]  }
0x2c: {  	v49 =	vld [tilespmem:$0x180]  }
0x2d: {  	v50 =	vld [tilespmem:$0x110]  }
0x2e: {  	v51 =	vld [tilespmem:$0x190]  }
0x2f: {  	v52 =	vld [tilespmem:$0x120]  }
0x30: {  	v53 =	vld [tilespmem:$0x1A0]  }
0x31: {  	v54 =	vld [tilespmem:$0x130]  }
0x32: {  	v55 =	vld [tilespmem:$0x1B0]  }
0x33: {  	v56 =	vld [tilespmem:$0x140]  }
0x34: {  	v57 =	vld [tilespmem:$0x1C0]  }
0x35: {  	v58 =	vld [tilespmem:$0x150]  }
0x36: {  	v59 =	vld [tilespmem:$0x1D0];
	v3 =	vmul.u32 $0x97, v3  }
0x37: {  	v60 =	vld [tilespmem:$0x160];
	v5 =	vmul.u32 $0x97, v50  }
0x38: {  	v62 =	vld [tilespmem:$0x170];
	v61 =	vmul.u32 $0x97, v52;
	v3 =	vadd.s32 v49, v3  }
0x39: {  	v16 =	vld [tilespmem:$0x1E0];
	v63 =	vmul.u32 $0x97, v54;
	[tilespmem:$0x480] =	vst v3;
	v3 =	vadd.s32 v51, v5  }
0x3a: {  	v18 =	vld [tilespmem:$0x1F0];
	v17 =	vmul.u32 $0x97, v56;
	[tilespmem:$0x490] =	vst v3;
	v3 =	vadd.s32 v53, v61  }
0x3b: {  	v19 =	vmul.u32 $0x97, v58;
	[tilespmem:$0x4A0] =	vst v3;
	v3 =	vadd.s32 v55, v63  }
0x3c: {  	v20 =	vmul.u32 $0x97, v60;
	[tilespmem:$0x4B0] =	vst v3;
	v3 =	vadd.s32 v57, v17  }
0x3d: {  	v21 =	vmul.u32 $0x97, v62;
	[tilespmem:$0x4C0] =	vst v3;
	v3 =	vadd.s32 v59, v19  }
0x3e: {  	[tilespmem:$0x4D0] =	vst v3;
	v3 =	vadd.s32 v16, v20  }
0x3f: {  	[tilespmem:$0x4E0] =	vst v3;
	v3 =	vadd.s32 v18, v21  }
0x40: {  	s26 =	simm.s32 $0x680;
	s25 =	simm.s32 $0x480;
	[tilespmem:$0x4F0] =	vst v3  }
0x41: {  	[tilespmem:s26], [sflag:$0x2] =	stream.indirect.gather [hbm4b:s1+s11], $0x1, s25, s11, $0xb8;
	[tilespmem:$0x7800] =	vst v63  }
0x42: {  	v3 =	vld [tilespmem:$0x200]  }
0x43: {  	v22 =	vld [tilespmem:$0x280]  }
0x44: {  	v23 =	vld [tilespmem:$0x210]  }
0x45: {  	v24 =	vld [tilespmem:$0x290]  }
0x46: {  	v25 =	vld [tilespmem:$0x220]  }
0x47: {  	v26 =	vld [tilespmem:$0x2A0]  }
0x48: {  	v27 =	vld [tilespmem:$0x230]  }
0x49: {  	v28 =	vld [tilespmem:$0x2B0]  }
0x4a: {  	v29 =	vld [tilespmem:$0x240]  }
0x4b: {  	v30 =	vld [tilespmem:$0x2C0]  }
0x4c: {  	v31 =	vld [tilespmem:$0x250]  }
0x4d: {  	v32 =	vld [tilespmem:$0x2D0];
	v3 =	vmul.u32 $0x97, v3  }
0x4e: {  	v33 =	vld [tilespmem:$0x260];
	v5 =	vmul.u32 $0x97, v23  }
0x4f: {  	v35 =	vld [tilespmem:$0x270];
	v34 =	vmul.u32 $0x97, v25;
	v3 =	vadd.s32 v22, v3  }
0x50: {  	v37 =	vld [tilespmem:$0x2E0];
	v36 =	vmul.u32 $0x97, v27;
	[tilespmem:$0x500] =	vst v3;
	v3 =	vadd.s32 v24, v5  }
0x51: {  	v39 =	vld [tilespmem:$0x2F0];
	v38 =	vmul.u32 $0x97, v29;
	[tilespmem:$0x510] =	vst v3;
	v3 =	vadd.s32 v26, v34  }
0x52: {  	v40 =	vmul.u32 $0x97, v31;
	[tilespmem:$0x520] =	vst v3;
	v3 =	vadd.s32 v28, v36  }
0x53: {  	v41 =	vmul.u32 $0x97, v33;
	[tilespmem:$0x530] =	vst v3;
	v3 =	vadd.s32 v30, v38  }
0x54: {  	v42 =	vmul.u32 $0x97, v35;
	[tilespmem:$0x540] =	vst v3;
	v3 =	vadd.s32 v32, v40  }
0x55: {  	[tilespmem:$0x550] =	vst v3;
	v3 =	vadd.s32 v37, v41  }
0x56: {  	[tilespmem:$0x560] =	vst v3;
	v3 =	vadd.s32 v39, v42  }
0x57: {  	s25 =	simm.s32 $0x500;
	s26 =	simm.s32 $0x700;
	[tilespmem:$0x570] =	vst v3  }
0x58: {  	[tilespmem:s26], [sflag:$0x3] =	stream.indirect.gather [hbm4b:s1+s11], $0x1, s25, s11, $0xb8;
	[tilespmem:$0x7800] =	vst v63  }
0x59: {  	v3 =	vld [tilespmem:$0x300]  }
0x5a: {  	v43 =	vld [tilespmem:$0x380]  }
0x5b: {  	v44 =	vld [tilespmem:$0x310]  }
0x5c: {  	v45 =	vld [tilespmem:$0x390]  }
0x5d: {  	v46 =	vld [tilespmem:$0x320]  }
0x5e: {  	v47 =	vld [tilespmem:$0x3A0]  }
0x5f: {  	v48 =	vld [tilespmem:$0x330]  }
0x60: {  	v49 =	vld [tilespmem:$0x3B0]  }
0x61: {  	v50 =	vld [tilespmem:$0x340]  }
0x62: {  	v51 =	vld [tilespmem:$0x3C0]  }
0x63: {  	v52 =	vld [tilespmem:$0x350]  }
0x64: {  	v53 =	vld [tilespmem:$0x3D0];
	v3 =	vmul.u32 $0x97, v3  }
0x65: {  	v54 =	vld [tilespmem:$0x360];
	v5 =	vmul.u32 $0x97, v44  }
0x66: {  	v56 =	vld [tilespmem:$0x370];
	v55 =	vmul.u32 $0x97, v46;
	v3 =	vadd.s32 v43, v3  }
0x67: {  	v58 =	vld [tilespmem:$0x3E0];
	v57 =	vmul.u32 $0x97, v48;
	[tilespmem:$0x580] =	vst v3;
	v3 =	vadd.s32 v45, v5  }
0x68: {  	v60 =	vld [tilespmem:$0x3F0];
	v59 =	vmul.u32 $0x97, v50;
	[tilespmem:$0x590] =	vst v3;
	v3 =	vadd.s32 v47, v55  }
0x69: {  	v61 =	vmul.u32 $0x97, v52;
	[tilespmem:$0x5A0] =	vst v3;
	v3 =	vadd.s32 v49, v57  }
0x6a: {  	v62 =	vmul.u32 $0x97, v54;
	[tilespmem:$0x5B0] =	vst v3;
	v3 =	vadd.s32 v51, v59  }
0x6b: {  	v63 =	vmul.u32 $0x97, v56;
	[tilespmem:$0x5C0] =	vst v3;
	v3 =	vadd.s32 v53, v61  }
0x6c: {  	[tilespmem:$0x5D0] =	vst v3;
	v3 =	vadd.s32 v58, v62  }
0x6d: {  	[tilespmem:$0x5E0] =	vst v3;
	v3 =	vadd.s32 v60, v63  }
0x6e: {  	s25 =	simm.s32 $0x580;
	s26 =	simm.s32 $0x780;
	[tilespmem:$0x5F0] =	vst v3  }
0x6f: {  	[tilespmem:s26], [sflag:$0x4] =	stream.indirect.gather [hbm4b:s1+s11], $0x1, s25, s11, $0xb8;
	[tilespmem:$0x7800] =	vst v63  }
0x70: {  	s25 =	sand.u32 $0x7000, s3;
	s26 =	sand.u32 $0x380, s3  }
0x71: {  	s23 =	sor.u32 s26, s25  }
0x72: {  	[tilespmem:s23+$0x1470] =	vst v0  }
0x73: {  	[tilespmem:s23+$0x800] =	vst v0  }
0x74: {  	[tilespmem:s23+$0x810] =	vst v0  }
0x75: {  	[tilespmem:s23+$0x820] =	vst v0  }
0x76: {  	[tilespmem:s23+$0x830] =	vst v0  }
0x77: {  	[tilespmem:s23+$0x840] =	vst v0  }
0x78: {  	[tilespmem:s23+$0x850] =	vst v0  }
0x79: {  	[tilespmem:s23+$0x860] =	vst v0  }
0x7a: {  	[tilespmem:s23+$0x870] =	vst v0  }
0x7b: {  	[tilespmem:s23+$0xC00] =	vst v0  }
0x7c: {  	[tilespmem:s23+$0xC10] =	vst v0  }
0x7d: {  	[tilespmem:s23+$0xC20] =	vst v0  }
0x7e: {  	[tilespmem:s23+$0xC30] =	vst v0  }
0x7f: {  	[tilespmem:s23+$0xC40] =	vst v0  }
0x80: {  	[tilespmem:s23+$0xC50] =	vst v0  }
0x81: {  	[tilespmem:s23+$0xC60] =	vst v0  }
0x82: {  	[tilespmem:s23+$0xC70] =	vst v0  }
0x83: {  	[tilespmem:s23+$0x1000] =	vst v0  }
0x84: {  	[tilespmem:s23+$0x1010] =	vst v0  }
0x85: {  	[tilespmem:s23+$0x1020] =	vst v0  }
0x86: {  	[tilespmem:s23+$0x1030] =	vst v0  }
0x87: {  	[tilespmem:s23+$0x1040] =	vst v0  }
0x88: {  	[tilespmem:s23+$0x1050] =	vst v0  }
0x89: {  	[tilespmem:s23+$0x1060] =	vst v0  }
0x8a: {  	[tilespmem:s23+$0x1070] =	vst v0  }
0x8b: {  	[tilespmem:s23+$0x1400] =	vst v0  }
0x8c: {  	[tilespmem:s23+$0x1410] =	vst v0  }
0x8d: {  	[tilespmem:s23+$0x1420] =	vst v0  }
0x8e: {  	[tilespmem:s23+$0x1430] =	vst v0  }
0x8f: {  	s26 =	simm.s32 $0x200;
	s25 =	simm.s32 $0x80;
	[tilespmem:s23+$0x1440] =	vst v0  }
0x90: {  	s28 =	sand.u32 $0x7000, s26;
	s29 =	sand.u32 $0x380, s25;
	s26 =	simm.s32 $0x400;
	[tilespmem:s23+$0x1450] =	vst v0  }
.LBB2_2:
0x91: {  	p0 =	sne.s32 s26, $0x6400;
	[tilespmem:s23+$0x1460] =	vst v0;
	s23 =	sor.u32 s29, s28  }
0x92: {  	[tilespmem:s23+$0x1470] =	vst v0  }
0x93: {  	[tilespmem:s23+$0x800] =	vst v0  }
0x94: {  	[tilespmem:s23+$0x810] =	vst v0  }
0x95: {  	[tilespmem:s23+$0x820] =	vst v0  }
0x96: {  	[tilespmem:s23+$0x830] =	vst v0  }
0x97: {  	[tilespmem:s23+$0x840] =	vst v0  }
0x98: {  	[tilespmem:s23+$0x850] =	vst v0  }
0x99: {  	[tilespmem:s23+$0x860] =	vst v0  }
0x9a: {  	[tilespmem:s23+$0x870] =	vst v0  }
0x9b: {  	[tilespmem:s23+$0xC00] =	vst v0  }
0x9c: {  	[tilespmem:s23+$0xC10] =	vst v0  }
0x9d: {  	[tilespmem:s23+$0xC20] =	vst v0  }
0x9e: {  	[tilespmem:s23+$0xC30] =	vst v0  }
0x9f: {  	[tilespmem:s23+$0xC40] =	vst v0  }
0xa0: {  	[tilespmem:s23+$0xC50] =	vst v0  }
0xa1: {  	[tilespmem:s23+$0xC60] =	vst v0  }
0xa2: {  	[tilespmem:s23+$0xC70] =	vst v0  }
0xa3: {  	[tilespmem:s23+$0x1000] =	vst v0  }
0xa4: {  	[tilespmem:s23+$0x1010] =	vst v0  }
0xa5: {  	[tilespmem:s23+$0x1020] =	vst v0  }
0xa6: {  	[tilespmem:s23+$0x1030] =	vst v0  }
0xa7: {  	[tilespmem:s23+$0x1040] =	vst v0  }
0xa8: {  	[tilespmem:s23+$0x1050] =	vst v0  }
0xa9: {  	[tilespmem:s23+$0x1060] =	vst v0  }
0xaa: {  	[tilespmem:s23+$0x1070] =	vst v0  }
0xab: {  	[tilespmem:s23+$0x1400] =	vst v0  }
.Ltmp0:
0xac: {  	[tilespmem:s23+$0x1410] =	vst v0;
	(pc) =	sbr.rel @p0 .LBB2_2-.Ltmp0, $4  }
0xad: {  	[tilespmem:s23+$0x1420] =	vst v0  }
0xae: {  	[tilespmem:s23+$0x1430] =	vst v0  }
0xaf: {  	s25 =	sadd.s32 $0x80, s25;
	[tilespmem:s23+$0x1440] =	vst v0  }
0xb0: {  	s28 =	sand.u32 $0x7000, s26;
	s26 =	sadd.s32 $0x200, s26;
	s29 =	sand.u32 $0x380, s25;
	[tilespmem:s23+$0x1450] =	vst v0  }
0xb1: {  	s25 =	sor.u32 s29, s28;
	[tilespmem:s23+$0x1460] =	vst v0  }
0xb2: {  	[tilespmem:s25+$0x1470] =	vst v0  }
0xb3: {  	[tilespmem:s25+$0x800] =	vst v0  }
0xb4: {  	[tilespmem:s25+$0x810] =	vst v0  }
0xb5: {  	[tilespmem:s25+$0x820] =	vst v0  }
0xb6: {  	[tilespmem:s25+$0x830] =	vst v0  }
0xb7: {  	[tilespmem:s25+$0x840] =	vst v0  }
0xb8: {  	[tilespmem:s25+$0x850] =	vst v0  }
0xb9: {  	[tilespmem:s25+$0x860] =	vst v0  }
0xba: {  	[tilespmem:s25+$0x870] =	vst v0  }
0xbb: {  	[tilespmem:s25+$0xC00] =	vst v0  }
0xbc: {  	[tilespmem:s25+$0xC10] =	vst v0  }
0xbd: {  	[tilespmem:s25+$0xC20] =	vst v0  }
0xbe: {  	[tilespmem:s25+$0xC30] =	vst v0  }
0xbf: {  	[tilespmem:s25+$0xC40] =	vst v0  }
0xc0: {  	[tilespmem:s25+$0xC50] =	vst v0  }
0xc1: {  	[tilespmem:s25+$0xC60] =	vst v0  }
0xc2: {  	[tilespmem:s25+$0xC70] =	vst v0  }
0xc3: {  	[tilespmem:s25+$0x1000] =	vst v0  }
0xc4: {  	[tilespmem:s25+$0x1010] =	vst v0  }
0xc5: {  	[tilespmem:s25+$0x1020] =	vst v0  }
0xc6: {  	[tilespmem:s25+$0x1030] =	vst v0  }
0xc7: {  	[tilespmem:s25+$0x1040] =	vst v0  }
0xc8: {  	[tilespmem:s25+$0x1050] =	vst v0  }
0xc9: {  	[tilespmem:s25+$0x1060] =	vst v0  }
0xca: {  	[tilespmem:s25+$0x1070] =	vst v0  }
0xcb: {  	[tilespmem:s25+$0x1400] =	vst v0  }
0xcc: {  	[tilespmem:s25+$0x1410] =	vst v0  }
0xcd: {  	[tilespmem:s25+$0x1420] =	vst v0  }
0xce: {  	[tilespmem:s25+$0x1430] =	vst v0  }
0xcf: {  	[tilespmem:s25+$0x1440] =	vst v0  }
0xd0: {  	[tilespmem:s25+$0x1450] =	vst v0  }
0xd1: {  	[tilespmem:s25+$0x1460] =	vst v0  }
0xd2: {  	_ =	swait.ge [sflag:s20], $0x80  }
0xd3: {  	[sflag:s20] =	ssyncset.done $0x0  }
0xd4: {  	s25 =	simm.s32 $0x600;
	[sflag:s20] =	ssyncadd.s32 $0xFFFFFF80  }
0xd5: {  	s23 =	simm.s32 $0x0;
	s26 =	simm.s32 $0x10;
	v3 =	vld [tilespmem:s25+$0x0]  }
.LBB2_4:
0xd6: {  	p0 =	sne.s32 s26, $0x70;
	_ =	sdelay $0x3  }
0xd7: {  	v4 =	vshll.u32 v3, $0x7  }
0xd8: {  	v3 =	vshll.u32 v3, $0x9;
	v4 =	vand.u32 $0x380, v4  }
0xd9: {  	v3 =	vand.u32 $0xFFFFF000, v3;
	v4 =	vor.u32 s23, v4;
	s23 =	smov.u32 s26  }
0xda: {  	v3 =	vor.u32 v3, v4  }
0xdb: {  	v3 =	vor.u32 v1, v3;
	_ =	sdelay $0x1  }
.Ltmp1:
0xdc: {  	(pc) =	sbr.rel @p0 .LBB2_4-.Ltmp1, $3  }
0xdd: {  	_ =	sdelay $0x1  }
0xde: {  	s25 =	sadd.s32 $0x10, s25;
	[tilespmem:v3+s21+$0x0] =	vst.idx.msk $0xffff, v2  }
0xdf: {  	s26 =	sadd.s32 $0x10, s26;
	v3 =	vld [tilespmem:s25+$0x0]  }
0xe0: {  	_ =	sdelay $0x3  }
0xe1: {  	v4 =	vshll.u32 v3, $0x7  }
0xe2: {  	v3 =	vshll.u32 v3, $0x9;
	v4 =	vand.u32 $0x380, v4  }
0xe3: {  	v3 =	vand.u32 $0xFFFFF000, v3;
	v4 =	vor.u32 s23, v4  }
0xe4: {  	v3 =	vor.u32 v3, v4  }
0xe5: {  	v3 =	vor.u32 v1, v3;
	_ =	sdelay $0x4  }
0xe6: {  	[tilespmem:v3+s21+$0x0] =	vst.idx.msk $0xffff, v2  }
0xe7: {  	[hbm4b:s4+s3] =	stream.linear.scatter [tilespmem:s21], [sflag:$0x5], $0x400, $0x38;
	[tilespmem:$0x7800] =	vst v63  }
0xe8: {  	s29 =	simm.s32 $0x1800  }
0xe9: {  	[hbm4b:s22+s3] =	stream.linear.scatter [tilespmem:s29], [sflag:$0x5], $0x400, $0x38;
	[tilespmem:$0x7800] =	vst v63  }
0xea: {  	s25 =	simm.s32 $0x2800  }
0xeb: {  	[hbm4b:s24+s3] =	stream.linear.scatter [tilespmem:s25], [sflag:$0x5], $0x400, $0x38;
	[tilespmem:$0x7800] =	vst v63  }
0xec: {  	s26 =	sadd.s32 $0xC000, s4;
	s25 =	simm.s32 $0x3800  }
0xed: {  	[hbm4b:s26+s3] =	stream.linear.scatter [tilespmem:s25], [sflag:$0x5], $0x400, $0x38;
	[tilespmem:$0x7800] =	vst v63  }
0xee: {  	s28 =	sadd.s32 $0x10000, s4;
	s29 =	simm.s32 $0x4800  }
0xef: {  	[hbm4b:s28+s3] =	stream.linear.scatter [tilespmem:s29], [sflag:$0x5], $0x400, $0x38;
	[tilespmem:$0x7800] =	vst v63  }
0xf0: {  	s25 =	sadd.s32 $0x14000, s4;
	s26 =	simm.s32 $0x5800  }
0xf1: {  	[hbm4b:s25+s3] =	stream.linear.scatter [tilespmem:s26], [sflag:$0x5], $0x400, $0x38;
	[tilespmem:$0x7800] =	vst v63  }
0xf2: {  	s28 =	sadd.s32 $0x18000, s4;
	s29 =	simm.s32 $0x6800  }
0xf3: {  	[hbm4b:s28+s3] =	stream.linear.scatter [tilespmem:s29], [sflag:$0x5], $0x400, $0x38;
	[tilespmem:$0x7800] =	vst v63  }
0xf4: {  	_ =	swait.ge [sflag:s31], $0x80  }
0xf5: {  	[sflag:s31] =	ssyncset.done $0x0  }
0xf6: {  	s23 =	simm.s32 $0x680;
	[sflag:s31] =	ssyncadd.s32 $0xFFFFFF80  }
0xf7: {  	s25 =	simm.s32 $0x80;
	s26 =	simm.s32 $0x90;
	v3 =	vld [tilespmem:s23+$0x0]  }
.LBB2_6:
0xf8: {  	p0 =	sne.s32 s26, $0xF0;
	_ =	sdelay $0x1  }
0xf9: {  	v4 =	vmov s25  }
0xfa: {  	v5 =	vor.u32 s25, v1;
	s25 =	smov.u32 s26;
	v4 =	vshll.u32 v4, $0x3  }
0xfb: {  	v5 =	vand.u32 $0x7F, v5;
	v4 =	vand.u32 $0x400, v4;
	v6 =	vshll.u32 v3, $0x9  }
0xfc: {  	v4 =	vor.u32 v4, v5;
	v3 =	vshll.u32 v3, $0x7;
	v6 =	vand.u32 $0xFFFFF000, v6  }
0xfd: {  	v3 =	vand.u32 $0x380, v3;
	v4 =	vor.u32 v6, v4  }
0xfe: {  	v3 =	vor.u32 v3, v4;
	_ =	sdelay $0x1  }
.Ltmp2:
0xff: {  	(pc) =	sbr.rel @p0 .LBB2_6-.Ltmp2, $3  }
0x100: {  	_ =	sdelay $0x1  }
0x101: {  	s23 =	sadd.s32 $0x10, s23;
	[tilespmem:v3+s21+$0x0] =	vst.idx.msk $0xffff, v2  }
0x102: {  	s26 =	sadd.s32 $0x10, s26;
	v3 =	vld [tilespmem:s23+$0x0]  }
0x103: {  	_ =	sdelay $0x1  }
0x104: {  	v4 =	vmov s25  }
0x105: {  	v5 =	vor.u32 s25, v1;
	v4 =	vshll.u32 v4, $0x3  }
0x106: {  	v5 =	vand.u32 $0x7F, v5;
	v4 =	vand.u32 $0x400, v4;
	v6 =	vshll.u32 v3, $0x9  }
0x107: {  	v4 =	vor.u32 v4, v5;
	v3 =	vshll.u32 v3, $0x7;
	v6 =	vand.u32 $0xFFFFF000, v6  }
0x108: {  	v3 =	vand.u32 $0x380, v3;
	v4 =	vor.u32 v6, v4  }
0x109: {  	v3 =	vor.u32 v3, v4;
	_ =	sdelay $0x4  }
0x10a: {  	s23 =	simm.s32 $0xC00;
	[tilespmem:v3+s21+$0x0] =	vst.idx.msk $0xffff, v2  }
0x10b: {  	[hbm4b:s6+s3] =	stream.linear.scatter [tilespmem:s23], [sflag:$0x5], $0x400, $0x38;
	[tilespmem:$0x7800] =	vst v63  }
0x10c: {  	s25 =	sadd.s32 $0x4000, s6;
	s26 =	simm.s32 $0x1C00  }
0x10d: {  	[hbm4b:s25+s3] =	stream.linear.scatter [tilespmem:s26], [sflag:$0x5], $0x400, $0x38;
	[tilespmem:$0x7800] =	vst v63  }
0x10e: {  	s28 =	sadd.s32 $0x8000, s6;
	s29 =	simm.s32 $0x2C00  }
0x10f: {  	[hbm4b:s28+s3] =	stream.linear.scatter [tilespmem:s29], [sflag:$0x5], $0x400, $0x38;
	[tilespmem:$0x7800] =	vst v63  }
0x110: {  	s25 =	sadd.s32 $0xC000, s6;
	s26 =	simm.s32 $0x3C00  }
0x111: {  	[hbm4b:s25+s3] =	stream.linear.scatter [tilespmem:s26], [sflag:$0x5], $0x400, $0x38;
	[tilespmem:$0x7800] =	vst v63  }
0x112: {  	s28 =	sadd.s32 $0x10000, s6;
	s29 =	simm.s32 $0x4C00  }
0x113: {  	[hbm4b:s28+s3] =	stream.linear.scatter [tilespmem:s29], [sflag:$0x5], $0x400, $0x38;
	[tilespmem:$0x7800] =	vst v63  }
0x114: {  	s25 =	sadd.s32 $0x14000, s6;
	s26 =	simm.s32 $0x5C00  }
0x115: {  	[hbm4b:s25+s3] =	stream.linear.scatter [tilespmem:s26], [sflag:$0x5], $0x400, $0x38;
	[tilespmem:$0x7800] =	vst v63  }
0x116: {  	s28 =	sadd.s32 $0x18000, s6;
	s29 =	simm.s32 $0x6C00  }
0x117: {  	[hbm4b:s28+s3] =	stream.linear.scatter [tilespmem:s29], [sflag:$0x5], $0x400, $0x38;
	[tilespmem:$0x7800] =	vst v63  }
0x118: {  	_ =	swait.ge [sflag:s17], $0x80  }
0x119: {  	[sflag:s17] =	ssyncset.done $0x0  }
0x11a: {  	s23 =	simm.s32 $0x700;
	[sflag:s17] =	ssyncadd.s32 $0xFFFFFF80  }
0x11b: {  	s25 =	simm.s32 $0x100;
	s26 =	simm.s32 $0x110;
	v3 =	vld [tilespmem:s23+$0x0]  }
.LBB2_8:
0x11c: {  	p0 =	sne.s32 s26, $0x170;
	_ =	sdelay $0x1  }
0x11d: {  	v4 =	vmov s25  }
0x11e: {  	v5 =	vor.u32 s25, v1;
	s25 =	smov.u32 s26;
	v4 =	vshll.u32 v4, $0x3  }
0x11f: {  	v5 =	vand.u32 $0x7F, v5;
	v4 =	vand.u32 $0xC00, v4;
	v6 =	vshll.u32 v3, $0x9  }
0x120: {  	v4 =	vor.u32 v4, v5;
	v3 =	vshll.u32 v3, $0x7;
	v6 =	vand.u32 $0xFFFFF000, v6  }
0x121: {  	v3 =	vand.u32 $0x380, v3;
	v4 =	vor.u32 v6, v4  }
0x122: {  	v3 =	vor.u32 v3, v4;
	_ =	sdelay $0x1  }
.Ltmp3:
0x123: {  	(pc) =	sbr.rel @p0 .LBB2_8-.Ltmp3, $3  }
0x124: {  	_ =	sdelay $0x1  }
0x125: {  	s23 =	sadd.s32 $0x10, s23;
	[tilespmem:v3+s21+$0x0] =	vst.idx.msk $0xffff, v2  }
0x126: {  	s26 =	sadd.s32 $0x10, s26;
	v3 =	vld [tilespmem:s23+$0x0]  }
0x127: {  	_ =	sdelay $0x1  }
0x128: {  	v4 =	vmov s25  }
0x129: {  	v5 =	vor.u32 s25, v1;
	v4 =	vshll.u32 v4, $0x3  }
0x12a: {  	v5 =	vand.u32 $0x7F, v5;
	v4 =	vand.u32 $0xC00, v4;
	v6 =	vshll.u32 v3, $0x9  }
0x12b: {  	v4 =	vor.u32 v4, v5;
	v3 =	vshll.u32 v3, $0x7;
	v6 =	vand.u32 $0xFFFFF000, v6  }
0x12c: {  	v3 =	vand.u32 $0x380, v3;
	v4 =	vor.u32 v6, v4  }
0x12d: {  	v3 =	vor.u32 v3, v4;
	_ =	sdelay $0x4  }
0x12e: {  	s23 =	simm.s32 $0x1000;
	[tilespmem:v3+s21+$0x0] =	vst.idx.msk $0xffff, v2  }
0x12f: {  	[hbm4b:s7+s3] =	stream.linear.scatter [tilespmem:s23], [sflag:$0x5], $0x400, $0x38;
	[tilespmem:$0x7800] =	vst v63  }
0x130: {  	s25 =	sadd.s32 $0x4000, s7;
	s26 =	simm.s32 $0x2000  }
0x131: {  	[hbm4b:s25+s3] =	stream.linear.scatter [tilespmem:s26], [sflag:$0x5], $0x400, $0x38;
	[tilespmem:$0x7800] =	vst v63  }
0x132: {  	s28 =	sadd.s32 $0x8000, s7;
	s29 =	simm.s32 $0x3000  }
0x133: {  	[hbm4b:s28+s3] =	stream.linear.scatter [tilespmem:s29], [sflag:$0x5], $0x400, $0x38;
	[tilespmem:$0x7800] =	vst v63  }
0x134: {  	s25 =	sadd.s32 $0xC000, s7;
	s26 =	simm.s32 $0x4000  }
0x135: {  	[hbm4b:s25+s3] =	stream.linear.scatter [tilespmem:s26], [sflag:$0x5], $0x400, $0x38;
	[tilespmem:$0x7800] =	vst v63  }
0x136: {  	s28 =	sadd.s32 $0x10000, s7;
	s29 =	simm.s32 $0x5000  }
0x137: {  	[hbm4b:s28+s3] =	stream.linear.scatter [tilespmem:s29], [sflag:$0x5], $0x400, $0x38;
	[tilespmem:$0x7800] =	vst v63  }
0x138: {  	s25 =	sadd.s32 $0x14000, s7;
	s26 =	simm.s32 $0x6000  }
0x139: {  	[hbm4b:s25+s3] =	stream.linear.scatter [tilespmem:s26], [sflag:$0x5], $0x400, $0x38;
	[tilespmem:$0x7800] =	vst v63  }
0x13a: {  	s28 =	sadd.s32 $0x18000, s7;
	s29 =	simm.s32 $0x7000  }
0x13b: {  	[hbm4b:s28+s3] =	stream.linear.scatter [tilespmem:s29], [sflag:$0x5], $0x400, $0x38;
	[tilespmem:$0x7800] =	vst v63  }
0x13c: {  	_ =	swait.ge [sflag:s30], $0x80  }
0x13d: {  	[sflag:s30] =	ssyncset.done $0x0  }
0x13e: {  	s23 =	simm.s32 $0x780;
	[sflag:s30] =	ssyncadd.s32 $0xFFFFFF80  }
0x13f: {  	s25 =	simm.s32 $0x180;
	s26 =	simm.s32 $0x190;
	v3 =	vld [tilespmem:s23+$0x0]  }
.LBB2_10:
0x140: {  	p0 =	sne.s32 s26, $0x1F0;
	_ =	sdelay $0x1  }
0x141: {  	v4 =	vmov s25  }
0x142: {  	v5 =	vor.u32 s25, v1;
	s25 =	smov.u32 s26;
	v4 =	vshll.u32 v4, $0x3  }
0x143: {  	v5 =	vand.u32 $0x7F, v5;
	v4 =	vand.u32 $0xC00, v4;
	v6 =	vshll.u32 v3, $0x9  }
0x144: {  	v4 =	vor.u32 v4, v5;
	v3 =	vshll.u32 v3, $0x7;
	v6 =	vand.u32 $0xFFFFF000, v6  }
0x145: {  	v3 =	vand.u32 $0x380, v3;
	v4 =	vor.u32 v6, v4  }
0x146: {  	v3 =	vor.u32 v3, v4;
	_ =	sdelay $0x1  }
.Ltmp4:
0x147: {  	(pc) =	sbr.rel @p0 .LBB2_10-.Ltmp4, $3  }
0x148: {  	_ =	sdelay $0x1  }
0x149: {  	s23 =	sadd.s32 $0x10, s23;
	[tilespmem:v3+s21+$0x0] =	vst.idx.msk $0xffff, v2  }
0x14a: {  	s26 =	sadd.s32 $0x10, s26;
	v3 =	vld [tilespmem:s23+$0x0]  }
0x14b: {  	_ =	sdelay $0x1  }
0x14c: {  	v4 =	vmov s25  }
0x14d: {  	v5 =	vor.u32 s25, v1;
	v4 =	vshll.u32 v4, $0x3  }
0x14e: {  	v5 =	vand.u32 $0x7F, v5;
	v4 =	vand.u32 $0xC00, v4;
	v6 =	vshll.u32 v3, $0x9  }
0x14f: {  	v4 =	vor.u32 v4, v5;
	v3 =	vshll.u32 v3, $0x7;
	v6 =	vand.u32 $0xFFFFF000, v6  }
0x150: {  	v3 =	vand.u32 $0x380, v3;
	v4 =	vor.u32 v6, v4  }
0x151: {  	v3 =	vor.u32 v3, v4;
	_ =	sdelay $0x4  }
0x152: {  	[tilespmem:v3+s21+$0x0] =	vst.idx.msk $0xffff, v2  }
0x153: {  	[hbm4b:s8+s3] =	stream.linear.scatter [tilespmem:s0], [sflag:$0x5], $0x400, $0x38;
	[tilespmem:$0x7800] =	vst v63  }
0x154: {  	s23 =	sadd.s32 $0x4000, s8  }
0x155: {  	[hbm4b:s23+s3] =	stream.linear.scatter [tilespmem:s2], [sflag:$0x5], $0x400, $0x38;
	[tilespmem:$0x7800] =	vst v63  }
0x156: {  	s29 =	sadd.s32 $0x8000, s8  }
0x157: {  	[hbm4b:s29+s3] =	stream.linear.scatter [tilespmem:s12], [sflag:$0x5], $0x400, $0x38;
	[tilespmem:$0x7800] =	vst v63  }
0x158: {  	s25 =	sadd.s32 $0xC000, s8  }
0x159: {  	[hbm4b:s25+s3] =	stream.linear.scatter [tilespmem:s13], [sflag:$0x5], $0x400, $0x38;
	[tilespmem:$0x7800] =	vst v63  }
0x15a: {  	s26 =	sadd.s32 $0x10000, s8  }
0x15b: {  	[hbm4b:s26+s3] =	stream.linear.scatter [tilespmem:s14], [sflag:$0x5], $0x400, $0x38;
	[tilespmem:$0x7800] =	vst v63  }
0x15c: {  	s28 =	sadd.s32 $0x14000, s8  }
0x15d: {  	[hbm4b:s28+s3] =	stream.linear.scatter [tilespmem:s15], [sflag:$0x5], $0x400, $0x38;
	[tilespmem:$0x7800] =	vst v63  }
0x15e: {  	s29 =	sadd.s32 $0x18000, s8  }
0x15f: {  	[hbm4b:s29+s3] =	stream.linear.scatter [tilespmem:s16], [sflag:$0x5], $0x400, $0x38;
	[tilespmem:$0x7800] =	vst v63  }
0x160: {  	_ =	swait.ge [sflag:s18], $0x1C00  }
0x161: {  	[sflag:s18] =	ssyncset.done $0x0  }
0x162: {  	[sflag:s18] =	ssyncadd.s32 $0xFFFFE400  }
0x163: {  	_ =	swait.ge [sflag:s18], $0x1C00  }
0x164: {  	[sflag:s18] =	ssyncset.done $0x0  }
0x165: {  	s19 =	sadd.s32 $0x1, s19;
	[sflag:s18] =	ssyncadd.s32 $0xFFFFE400  }
0x166: {  	p0 =	sne.s32 s19, s9;
	_ =	swait.ge [sflag:s18], $0x1C00  }
.Ltmp5:
0x167: {  	[sflag:s18] =	ssyncset.done $0x0;
	(pc) =	sbr.rel @p0 .LBB2_1-.Ltmp5, $4  }
0x168: {  	[sflag:s18] =	ssyncadd.s32 $0xFFFFE400  }
0x169: {  	_ =	swait.ge [sflag:s18], $0x1C00  }
0x16a: {  	[sflag:s18] =	ssyncset.done $0x0  }
0x16b: {  	[sflag:s18] =	ssyncadd.s32 $0xFFFFE400  }
0x16c: {  	_ =	sfence.sel $0x180000  }
0x16d: {  	[bflag:$0x0] =	sbarrier.arrive $0xFFFF  }
0x16e: {  	_ =	strace $0x90000047  }
0x16f: {  	s0 =	stileid.u32;
	[bflag:$0x2] =	sbarrier.arrive $0xFFFF  }
0x170: {  	p0 =	sne.s32 s0, $0x0;
	s0 =	rddreg [dreg:$0x3]  }
0x171: {  	s0 =	sadd.s32 @!p0 $0x100000, s0  }
0x172: {  	[sflag:s0] =	ssyncadd.tile.s32 @!p0 $0x1;
	_ =	shalt  }
.Lfunc_end2:
_tile_overlayer_lowered:
.L_overlay_start_2:
0x173: {  	(tag) =	ssettag $0x2  }
0x174: {  	s0 =	rddreg [dreg:$0x0];
	s2 =	stileid.u32  }
0x175: {  	s1 =	rddreg [dreg:$0x1];
	p0 =	sne.s32 s2, $0x0  }
0x176: {  	s3 =	rddreg [dreg:$0x2];
	[bflag:$0x3] =	sbarrier.arrive $0xFFFF;
	s2 =	simm.s32 @!p0 $0x1C06  }
0x177: {  	[timem:s3], [sflag:s2] =	dma.local @!p0 [hbm:s0], s1  }
0x178: {  	s0 =	simm.s32 @!p0 $0x6  }
0x179: {  	_ =	swait.ge @!p0 [sflag:s0], s1  }
0x17a: {  	s1 =	ssub.s32 @!p0 $0x0, s1;
	[sflag:s0] =	ssyncset.done @!p0 $0x0  }
0x17b: {  	[sflag:s0] =	ssyncadd.s32 @!p0 s1  }
0x17c: {  	[bflag:$0x3] =	sbarrier.arrive $0xFFFF  }
0x17d: {  	_ =	shalt  }

</sc_bundles>
